<compile_context>
chip_gen: v7x
topology: tpu7x:2x2x1
jax: 0.10.2.dev20260603
libtpu: 0.0.44.dev20260713+nightly
codegen_flags: <defaults>
</compile_context>

<pallas_src>
import functools

import jax
import jax.numpy as jnp
from jax import lax
from jax.experimental import pallas as pl
from jax.experimental.pallas import tpu as pltpu
from jax.experimental.pallas import tpu_sc as plsc

_NUM_CORES = 2
_NUM_SUBCORES = 16
_NUM_WORKERS = _NUM_CORES * _NUM_SUBCORES
_LANES = 16
_DEPTH = 4


def _mf_forward(users, items, user_embeddings, item_embeddings,
                user_biases, item_biases):
    batch = users.shape[0]
    d = user_embeddings.shape[1]
    assert batch % (_NUM_WORKERS * _LANES) == 0
    bpw = batch // _NUM_WORKERS
    n_blocks = bpw // _LANES
    mesh = plsc.VectorSubcoreMesh(
        core_axis_name="c", subcore_axis_name="s", num_cores=_NUM_CORES)

    @functools.partial(
        pl.kernel,
        mesh=mesh,
        compiler_params=pltpu.CompilerParams(needs_layout_passes=False,
                                             use_tc_tiling_on_sc=True,
                                             skip_device_barrier=True,
                                             disable_semaphore_checks=True),
        out_type=jax.ShapeDtypeStruct((batch,), jnp.float32),
        scratch_types=[
            pltpu.VMEM((bpw,), jnp.int32),
            pltpu.VMEM((bpw,), jnp.int32),
            pltpu.VMEM((_DEPTH * _LANES, d), jnp.float32),
            pltpu.VMEM((_DEPTH * _LANES, d), jnp.float32),
            pltpu.VMEM((bpw,), jnp.float32),
            pltpu.VMEM((bpw,), jnp.float32),
            pltpu.VMEM((bpw,), jnp.float32),
            pltpu.SemaphoreType.DMA,
            pltpu.SemaphoreType.DMA,
            pltpu.SemaphoreType.DMA,
            pltpu.SemaphoreType.DMA,
        ],
    )
    def mf_kernel(users_hbm, items_hbm, ue_hbm, ie_hbm, ub_hbm, ib_hbm,
                  out_hbm, uidx_v, iidx_v, du_v, di_v, ubias_v, ibias_v,
                  out_v, sem_u, sem_i, sem_ub, sem_ib):
        wid = lax.axis_index("s") * _NUM_CORES + lax.axis_index("c")
        base = wid * bpw

        pltpu.sync_copy(users_hbm.at[pl.ds(base, bpw)], uidx_v)
        pltpu.sync_copy(items_hbm.at[pl.ds(base, bpw)], iidx_v)

        cp_ub = pltpu.async_copy(ub_hbm.at[uidx_v], ubias_v, sem_ub)
        cp_ib = pltpu.async_copy(ib_hbm.at[iidx_v], ibias_v, sem_ib)
        cp_ub.wait()
        cp_ib.wait()

        lane = lax.iota(jnp.int32, _LANES)

        def fire_block(g):
            slot = lax.rem(g, _DEPTH) * _LANES
            ub16 = uidx_v[pl.ds(g * _LANES, _LANES)]
            ib16 = iidx_v[pl.ds(g * _LANES, _LANES)]
            for k in range(_LANES):
                pltpu.async_copy(ue_hbm.at[ub16[k]], du_v.at[slot + k],
                                 sem_u)
                pltpu.async_copy(ie_hbm.at[ib16[k]], di_v.at[slot + k],
                                 sem_i)

        def drain_block():
            pltpu.make_async_copy(
                ue_hbm.at[pl.ds(0, _LANES)],
                du_v.at[pl.ds(0, _LANES)], sem_u).wait()
            pltpu.make_async_copy(
                ie_hbm.at[pl.ds(0, _LANES)],
                di_v.at[pl.ds(0, _LANES)], sem_i).wait()

        def compute_block(g):
            slot = lax.rem(g, _DEPTH) * _LANES
            rows = slot + lane
            acc = (ubias_v[pl.ds(g * _LANES, _LANES)]
                   + ibias_v[pl.ds(g * _LANES, _LANES)])
            for c in range(d):
                cc = jnp.full((_LANES,), c, jnp.int32)
                acc = acc + (plsc.load_gather(du_v, [rows, cc])
                             * plsc.load_gather(di_v, [rows, cc]))
            out_v[pl.ds(g * _LANES, _LANES)] = acc

        def step(g, _):
            @pl.when(g < n_blocks)
            def _fire():
                fire_block(g)

            @pl.when(g >= _DEPTH - 1)
            def _consume():
                drain_block()
                compute_block(g - (_DEPTH - 1))

            return _

        lax.fori_loop(0, n_blocks + _DEPTH - 1, step, None)

        pltpu.sync_copy(out_v, out_hbm.at[pl.ds(base, bpw)])

    return mf_kernel(users, items, user_embeddings, item_embeddings,
                     user_biases, item_biases)


def kernel(users, items, user_embeddings, item_embeddings, user_biases,
           item_biases):
    out = _mf_forward(users.astype(jnp.int32), items.astype(jnp.int32),
                      user_embeddings, item_embeddings,
                      user_biases.reshape(-1), item_biases.reshape(-1))
    return out.reshape(-1, 1)

# --- scband reference (transcript-rebuilt; emitter-appended) ---
"""Pipeline reference for scband-matrix-factorization-52759378264091 (READ-ONLY COPY).

The authoritative reference and input builder live on the scoring server;
editing this copy changes nothing except your own understanding.
"""

import jax, jax.numpy as jnp
import numpy as np

N_USERS = 100000
N_ITEMS = 1000000
N_FACTORS = 64
BATCH = 16384


def setup_inputs(seed: int = 0) -> dict:
    key = jax.random.key(seed)
    k1, k2, k3, k4, k5, k6 = jax.random.split(key, 6)
    users = jax.random.randint(k1, (BATCH,), 0, N_USERS, dtype=jnp.int64 if jax.config.jax_enable_x64 else jnp.int32)
    items = jax.random.randint(k2, (BATCH,), 0, N_ITEMS, dtype=jnp.int64 if jax.config.jax_enable_x64 else jnp.int32)
    user_embeddings = jax.random.normal(k3, (N_USERS, N_FACTORS), dtype=jnp.float32)
    item_embeddings = jax.random.normal(k4, (N_ITEMS, N_FACTORS), dtype=jnp.float32)
    user_biases = jax.random.normal(k5, (N_USERS, 1), dtype=jnp.float32)
    item_biases = jax.random.normal(k6, (N_ITEMS, 1), dtype=jnp.float32)
    return {
        "users": users,
        "items": items,
        "user_embeddings": user_embeddings,
        "item_embeddings": item_embeddings,
        "user_biases": user_biases,
        "item_biases": item_biases,
    }


def reference(users, items, user_embeddings, item_embeddings, user_biases, item_biases):
    # ues = self.user_embeddings(users).squeeze()  -> [B, n_factors]
    ues = jnp.take(user_embeddings, users, axis=0)
    # uis = self.item_embeddings(items)            -> [B, n_factors]
    uis = jnp.take(item_embeddings, items, axis=0)
    # b_user = self.user_biases(users).view(-1, 1) -> [B, 1]
    b_user = jnp.take(user_biases, users, axis=0).reshape(-1, 1)
    # b_item = self.item_biases(items)             -> [B, 1]
    b_item = jnp.take(item_biases, items, axis=0)
    # dropout_p = 0 -> identity in both train/eval
    preds = b_user + b_item + jnp.sum(ues * uis, axis=-1, keepdims=True)
    # use_logit = False -> no sigmoid
    return preds

if __name__ == "__main__":
    import jax
    _d = setup_inputs()
    print(jax.jit(kernel)(*tuple(_d.values())))

</pallas_src>

<mosaic_0001>
#map = affine_map<(d0, d1) -> (0)>
#map1 = affine_map<(d0, d1) -> (0, 0)>
module attributes {stable_mosaic.version = 14 : i64} {
  func.func @mf_kernel(%arg0: i32, %arg1: i32, %arg2: memref<16384xi32, #tpu.memory_space<hbm>>, %arg3: memref<16384xi32, #tpu.memory_space<hbm>>, %arg4: memref<100000x64xf32, #tpu.memory_space<hbm>>, %arg5: memref<1000000x64xf32, #tpu.memory_space<hbm>>, %arg6: memref<100000xf32, #tpu.memory_space<hbm>>, %arg7: memref<1000000xf32, #tpu.memory_space<hbm>>, %arg8: memref<16384xf32, #tpu.memory_space<hbm>>, %arg9: memref<512xi32, #tpu.memory_space<vmem>>, %arg10: memref<512xi32, #tpu.memory_space<vmem>>, %arg11: memref<64x64xf32, #tpu.memory_space<vmem>>, %arg12: memref<64x64xf32, #tpu.memory_space<vmem>>, %arg13: memref<512xf32, #tpu.memory_space<vmem>>, %arg14: memref<512xf32, #tpu.memory_space<vmem>>, %arg15: memref<512xf32, #tpu.memory_space<vmem>>, %arg16: memref<!tpu.dma_semaphore, #tpu.memory_space<semaphore_mem>>, %arg17: memref<!tpu.dma_semaphore, #tpu.memory_space<semaphore_mem>>, %arg18: memref<!tpu.dma_semaphore, #tpu.memory_space<semaphore_mem>>, %arg19: memref<!tpu.dma_semaphore, #tpu.memory_space<semaphore_mem>>) attributes {dimension_semantics = [#tpu.dimension_semantics<core_parallel>, #tpu.dimension_semantics<subcore_parallel>], iteration_bounds = array<i64: 2, 16>, scalar_prefetch = 0 : i64, scratch_operands = 11 : i64, tpu.core_type = #tpu.core_type<sc_vector_subcore>, window_params = [{transform_indices = #map}, {transform_indices = #map}, {transform_indices = #map1}, {transform_indices = #map1}, {transform_indices = #map}, {transform_indices = #map}, {transform_indices = #map}]} {
    %mul3A = arith.constant 2 : i32
    %mul3A_0 = arith.muli %arg1, %mul3A : i32
    %add3A = arith.addi %mul3A_0, %arg0 : i32
    %mul3A_1 = arith.constant 512 : i32
    %mul3A_2 = arith.muli %add3A, %mul3A_1 : i32
    "tpu.region"() ({
      %run_scoped3A = tpu.sem_alloc : memref<!tpu.dma_semaphore, #tpu.memory_space<semaphore_mem>>
      %dma_start3A_13 = tpu.memref_slice %arg2[%mul3A_2] : memref<16384xi32, #tpu.memory_space<hbm>> -> memref<512xi32, #tpu.memory_space<hbm>>
      %dma_start3A_14 = tpu.memref_slice %arg2[%mul3A_2] : memref<16384xi32, #tpu.memory_space<hbm>> -> memref<512xi32, #tpu.memory_space<hbm>>
      tpu.enqueue_dma source(%dma_start3A_14 : memref<512xi32, #tpu.memory_space<hbm>>) target(%arg9 : memref<512xi32, #tpu.memory_space<vmem>>) target_semaphore(%run_scoped3A : memref<!tpu.dma_semaphore, #tpu.memory_space<semaphore_mem>>)
      %dma_wait3A_15 = tpu.memref_slice %arg2[%mul3A_2] : memref<16384xi32, #tpu.memory_space<hbm>> -> memref<512xi32, #tpu.memory_space<hbm>>
      %dma_wait3A_16 = tpu.memref_slice %arg2[%mul3A_2] : memref<16384xi32, #tpu.memory_space<hbm>> -> memref<512xi32, #tpu.memory_space<hbm>>
      tpu.wait_dma2 semaphore(%run_scoped3A : memref<!tpu.dma_semaphore, #tpu.memory_space<semaphore_mem>>) src(%dma_wait3A_16 : memref<512xi32, #tpu.memory_space<hbm>>) dst(%arg9 : memref<512xi32, #tpu.memory_space<vmem>>)
      tpu.yield
    }) : () -> ()
    "tpu.region"() ({
      %run_scoped3A = tpu.sem_alloc : memref<!tpu.dma_semaphore, #tpu.memory_space<semaphore_mem>>
      %dma_start3A_13 = tpu.memref_slice %arg3[%mul3A_2] : memref<16384xi32, #tpu.memory_space<hbm>> -> memref<512xi32, #tpu.memory_space<hbm>>
      %dma_start3A_14 = tpu.memref_slice %arg3[%mul3A_2] : memref<16384xi32, #tpu.memory_space<hbm>> -> memref<512xi32, #tpu.memory_space<hbm>>
      tpu.enqueue_dma source(%dma_start3A_14 : memref<512xi32, #tpu.memory_space<hbm>>) target(%arg10 : memref<512xi32, #tpu.memory_space<vmem>>) target_semaphore(%run_scoped3A : memref<!tpu.dma_semaphore, #tpu.memory_space<semaphore_mem>>)
      %dma_wait3A_15 = tpu.memref_slice %arg3[%mul3A_2] : memref<16384xi32, #tpu.memory_space<hbm>> -> memref<512xi32, #tpu.memory_space<hbm>>
      %dma_wait3A_16 = tpu.memref_slice %arg3[%mul3A_2] : memref<16384xi32, #tpu.memory_space<hbm>> -> memref<512xi32, #tpu.memory_space<hbm>>
      tpu.wait_dma2 semaphore(%run_scoped3A : memref<!tpu.dma_semaphore, #tpu.memory_space<semaphore_mem>>) src(%dma_wait3A_16 : memref<512xi32, #tpu.memory_space<hbm>>) dst(%arg10 : memref<512xi32, #tpu.memory_space<vmem>>)
      tpu.yield
    }) : () -> ()
    %dma_start3A = arith.constant 0 : i32
    %dma_start3A_3 = tpu.memref_slice %arg6[%dma_start3A] : memref<100000xf32, #tpu.memory_space<hbm>> -> memref<100000xf32, #tpu.memory_space<hbm>>
    tpu.enqueue_indirect_dma source(%dma_start3A_3 : memref<100000xf32, #tpu.memory_space<hbm>>) target(%arg13 : memref<512xf32, #tpu.memory_space<vmem>>) offsets(%arg9 : memref<512xi32, #tpu.memory_space<vmem>>) semaphore(%arg18 : memref<!tpu.dma_semaphore, #tpu.memory_space<semaphore_mem>>)
    %dma_start3A_4 = arith.constant 0 : i32
    %dma_start3A_5 = tpu.memref_slice %arg7[%dma_start3A_4] : memref<1000000xf32, #tpu.memory_space<hbm>> -> memref<1000000xf32, #tpu.memory_space<hbm>>
    tpu.enqueue_indirect_dma source(%dma_start3A_5 : memref<1000000xf32, #tpu.memory_space<hbm>>) target(%arg14 : memref<512xf32, #tpu.memory_space<vmem>>) offsets(%arg10 : memref<512xi32, #tpu.memory_space<vmem>>) semaphore(%arg19 : memref<!tpu.dma_semaphore, #tpu.memory_space<semaphore_mem>>)
    %dma_wait3A = arith.constant 0 : i32
    %dma_wait3A_6 = tpu.memref_slice %arg6[%dma_wait3A] : memref<100000xf32, #tpu.memory_space<hbm>> -> memref<100000xf32, #tpu.memory_space<hbm>>
    tpu.wait_indirect_dma semaphore(%arg18 : memref<!tpu.dma_semaphore, #tpu.memory_space<semaphore_mem>>) src(%dma_wait3A_6 : memref<100000xf32, #tpu.memory_space<hbm>>) dst(%arg13 : memref<512xf32, #tpu.memory_space<vmem>>)
    %dma_wait3A_7 = arith.constant 0 : i32
    %dma_wait3A_8 = tpu.memref_slice %arg7[%dma_wait3A_7] : memref<1000000xf32, #tpu.memory_space<hbm>> -> memref<1000000xf32, #tpu.memory_space<hbm>>
    tpu.wait_indirect_dma semaphore(%arg19 : memref<!tpu.dma_semaphore, #tpu.memory_space<semaphore_mem>>) src(%dma_wait3A_8 : memref<1000000xf32, #tpu.memory_space<hbm>>) dst(%arg14 : memref<512xf32, #tpu.memory_space<vmem>>)
    %iota3A = tpu.iota {dimensions = array<i32: 0>} : vector<16xi32>
    %scan3A = arith.constant 0 : i32
    %scan3A_9 = arith.constant 35 : i32
    %scan3A_10 = arith.addi %scan3A, %scan3A_9 : i32
    %scan3A_11 = arith.constant 1 : i32
    scf.for %scan3A_13 = %scan3A to %scan3A_10 step %scan3A_11  : i32 {
      %lt3A = arith.constant 32 : i32
      %lt3A_14 = arith.cmpi slt, %scan3A_13, %lt3A : i32
      %convert_element_type3A = arith.extui %lt3A_14 : i1 to i32
      %cond3A = arith.constant 0 : i32
      %cond3A_15 = arith.cmpi ne, %convert_element_type3A, %cond3A : i32
      scf.if %cond3A_15 {
        %rem3A = arith.constant 4 : i32
        %rem3A_20 = arith.remsi %scan3A_13, %rem3A : i32
        %mul3A_21 = arith.constant 16 : i32
        %mul3A_22 = arith.muli %rem3A_20, %mul3A_21 : i32
        %mul3A_23 = arith.constant 16 : i32
        %mul3A_24 = arith.muli %scan3A_13, %mul3A_23 : i32
        %get3A = arith.index_cast %mul3A_24 : i32 to index
        %get3A_25 = tpu.vector_load %arg9[%get3A] {strides = array<i32>} : memref<512xi32, #tpu.memory_space<vmem>>, vector<16xi32>,
        %mul3A_26 = arith.constant 16 : i32
        %mul3A_27 = arith.muli %scan3A_13, %mul3A_26 : i32
        %get3A_28 = arith.index_cast %mul3A_27 : i32 to index
        %get3A_29 = tpu.vector_load %arg10[%get3A_28] {strides = array<i32>} : memref<512xi32, #tpu.memory_space<vmem>>, vector<16xi32>,
        %slice3A = vector.extract_strided_slice %get3A_25 {offsets = [0], sizes = [1], strides = [1]} : vector<16xi32> to vector<1xi32>
        %squeeze3A = vector.extract %slice3A[0] : i32 from vector<1xi32>
        %add3A_30 = arith.constant 0 : i32
        %add3A_31 = arith.addi %mul3A_22, %add3A_30 : i32
        %dma_start3A_32 = arith.constant 0 : i32
        %dma_start3A_33 = tpu.memref_slice %arg11[%add3A_31, %dma_start3A_32] : memref<64x64xf32, #tpu.memory_space<vmem>> -> memref<1x64xf32, #tpu.memory_space<vmem>>
        %dma_start3A_34 = tpu.memref_squeeze %dma_start3A_33 : memref<1x64xf32, #tpu.memory_space<vmem>> -> memref<64xf32, #tpu.memory_space<vmem>>
        %dma_start3A_35 = arith.constant 0 : i32
        %dma_start3A_36 = tpu.memref_slice %arg4[%squeeze3A, %dma_start3A_35] : memref<100000x64xf32, #tpu.memory_space<hbm>> -> memref<1x64xf32, #tpu.memory_space<hbm>>
        %dma_start3A_37 = tpu.memref_squeeze %dma_start3A_36 : memref<1x64xf32, #tpu.memory_space<hbm>> -> memref<64xf32, #tpu.memory_space<hbm>>
        %dma_start3A_38 = arith.constant 0 : i32
        %dma_start3A_39 = tpu.memref_slice %arg11[%add3A_31, %dma_start3A_38] : memref<64x64xf32, #tpu.memory_space<vmem>> -> memref<1x64xf32, #tpu.memory_space<vmem>>
        %dma_start3A_40 = tpu.memref_squeeze %dma_start3A_39 : memref<1x64xf32, #tpu.memory_space<vmem>> -> memref<64xf32, #tpu.memory_space<vmem>>
        %dma_start3A_41 = arith.constant 0 : i32
        %dma_start3A_42 = tpu.memref_slice %arg4[%squeeze3A, %dma_start3A_41] : memref<100000x64xf32, #tpu.memory_space<hbm>> -> memref<1x64xf32, #tpu.memory_space<hbm>>
        %dma_start3A_43 = tpu.memref_squeeze %dma_start3A_42 : memref<1x64xf32, #tpu.memory_space<hbm>> -> memref<64xf32, #tpu.memory_space<hbm>>
        tpu.enqueue_dma source(%dma_start3A_43 : memref<64xf32, #tpu.memory_space<hbm>>) target(%dma_start3A_40 : memref<64xf32, #tpu.memory_space<vmem>>) target_semaphore(%arg16 : memref<!tpu.dma_semaphore, #tpu.memory_space<semaphore_mem>>)
        %slice3A_44 = vector.extract_strided_slice %get3A_29 {offsets = [0], sizes = [1], strides = [1]} : vector<16xi32> to vector<1xi32>
        %squeeze3A_45 = vector.extract %slice3A_44[0] : i32 from vector<1xi32>
        %add3A_46 = arith.constant 0 : i32
        %add3A_47 = arith.addi %mul3A_22, %add3A_46 : i32
        %dma_start3A_48 = arith.constant 0 : i32
        %dma_start3A_49 = tpu.memref_slice %arg12[%add3A_47, %dma_start3A_48] : memref<64x64xf32, #tpu.memory_space<vmem>> -> memref<1x64xf32, #tpu.memory_space<vmem>>
        %dma_start3A_50 = tpu.memref_squeeze %dma_start3A_49 : memref<1x64xf32, #tpu.memory_space<vmem>> -> memref<64xf32, #tpu.memory_space<vmem>>
        %dma_start3A_51 = arith.constant 0 : i32
        %dma_start3A_52 = tpu.memref_slice %arg5[%squeeze3A_45, %dma_start3A_51] : memref<1000000x64xf32, #tpu.memory_space<hbm>> -> memref<1x64xf32, #tpu.memory_space<hbm>>
        %dma_start3A_53 = tpu.memref_squeeze %dma_start3A_52 : memref<1x64xf32, #tpu.memory_space<hbm>> -> memref<64xf32, #tpu.memory_space<hbm>>
        %dma_start3A_54 = arith.constant 0 : i32
        %dma_start3A_55 = tpu.memref_slice %arg12[%add3A_47, %dma_start3A_54] : memref<64x64xf32, #tpu.memory_space<vmem>> -> memref<1x64xf32, #tpu.memory_space<vmem>>
        %dma_start3A_56 = tpu.memref_squeeze %dma_start3A_55 : memref<1x64xf32, #tpu.memory_space<vmem>> -> memref<64xf32, #tpu.memory_space<vmem>>
        %dma_start3A_57 = arith.constant 0 : i32
        %dma_start3A_58 = tpu.memref_slice %arg5[%squeeze3A_45, %dma_start3A_57] : memref<1000000x64xf32, #tpu.memory_space<hbm>> -> memref<1x64xf32, #tpu.memory_space<hbm>>
        %dma_start3A_59 = tpu.memref_squeeze %dma_start3A_58 : memref<1x64xf32, #tpu.memory_space<hbm>> -> memref<64xf32, #tpu.memory_space<hbm>>
        tpu.enqueue_dma source(%dma_start3A_59 : memref<64xf32, #tpu.memory_space<hbm>>) target(%dma_start3A_56 : memref<64xf32, #tpu.memory_space<vmem>>) target_semaphore(%arg17 : memref<!tpu.dma_semaphore, #tpu.memory_space<semaphore_mem>>)
        %slice3A_60 = vector.extract_strided_slice %get3A_25 {offsets = [1], sizes = [1], strides = [1]} : vector<16xi32> to vector<1xi32>
        %squeeze3A_61 = vector.extract %slice3A_60[0] : i32 from vector<1xi32>
        %add3A_62 = arith.constant 1 : i32
        %add3A_63 = arith.addi %mul3A_22, %add3A_62 : i32
        %dma_start3A_64 = arith.constant 0 : i32
        %dma_start3A_65 = tpu.memref_slice %arg11[%add3A_63, %dma_start3A_64] : memref<64x64xf32, #tpu.memory_space<vmem>> -> memref<1x64xf32, #tpu.memory_space<vmem>>
        %dma_start3A_66 = tpu.memref_squeeze %dma_start3A_65 : memref<1x64xf32, #tpu.memory_space<vmem>> -> memref<64xf32, #tpu.memory_space<vmem>>
        %dma_start3A_67 = arith.constant 0 : i32
        %dma_start3A_68 = tpu.memref_slice %arg4[%squeeze3A_61, %dma_start3A_67] : memref<100000x64xf32, #tpu.memory_space<hbm>> -> memref<1x64xf32, #tpu.memory_space<hbm>>
        %dma_start3A_69 = tpu.memref_squeeze %dma_start3A_68 : memref<1x64xf32, #tpu.memory_space<hbm>> -> memref<64xf32, #tpu.memory_space<hbm>>
        %dma_start3A_70 = arith.constant 0 : i32
        %dma_start3A_71 = tpu.memref_slice %arg11[%add3A_63, %dma_start3A_70] : memref<64x64xf32, #tpu.memory_space<vmem>> -> memref<1x64xf32, #tpu.memory_space<vmem>>
        %dma_start3A_72 = tpu.memref_squeeze %dma_start3A_71 : memref<1x64xf32, #tpu.memory_space<vmem>> -> memref<64xf32, #tpu.memory_space<vmem>>
        %dma_start3A_73 = arith.constant 0 : i32
        %dma_start3A_74 = tpu.memref_slice %arg4[%squeeze3A_61, %dma_start3A_73] : memref<100000x64xf32, #tpu.memory_space<hbm>> -> memref<1x64xf32, #tpu.memory_space<hbm>>
        %dma_start3A_75 = tpu.memref_squeeze %dma_start3A_74 : memref<1x64xf32, #tpu.memory_space<hbm>> -> memref<64xf32, #tpu.memory_space<hbm>>
        tpu.enqueue_dma source(%dma_start3A_75 : memref<64xf32, #tpu.memory_space<hbm>>) target(%dma_start3A_72 : memref<64xf32, #tpu.memory_space<vmem>>) target_semaphore(%arg16 : memref<!tpu.dma_semaphore, #tpu.memory_space<semaphore_mem>>)
        %slice3A_76 = vector.extract_strided_slice %get3A_29 {offsets = [1], sizes = [1], strides = [1]} : vector<16xi32> to vector<1xi32>
        %squeeze3A_77 = vector.extract %slice3A_76[0] : i32 from vector<1xi32>
        %add3A_78 = arith.constant 1 : i32
        %add3A_79 = arith.addi %mul3A_22, %add3A_78 : i32
        %dma_start3A_80 = arith.constant 0 : i32
        %dma_start3A_81 = tpu.memref_slice %arg12[%add3A_79, %dma_start3A_80] : memref<64x64xf32, #tpu.memory_space<vmem>> -> memref<1x64xf32, #tpu.memory_space<vmem>>
        %dma_start3A_82 = tpu.memref_squeeze %dma_start3A_81 : memref<1x64xf32, #tpu.memory_space<vmem>> -> memref<64xf32, #tpu.memory_space<vmem>>
        %dma_start3A_83 = arith.constant 0 : i32
        %dma_start3A_84 = tpu.memref_slice %arg5[%squeeze3A_77, %dma_start3A_83] : memref<1000000x64xf32, #tpu.memory_space<hbm>> -> memref<1x64xf32, #tpu.memory_space<hbm>>
        %dma_start3A_85 = tpu.memref_squeeze %dma_start3A_84 : memref<1x64xf32, #tpu.memory_space<hbm>> -> memref<64xf32, #tpu.memory_space<hbm>>
        %dma_start3A_86 = arith.constant 0 : i32
        %dma_start3A_87 = tpu.memref_slice %arg12[%add3A_79, %dma_start3A_86] : memref<64x64xf32, #tpu.memory_space<vmem>> -> memref<1x64xf32, #tpu.memory_space<vmem>>
        %dma_start3A_88 = tpu.memref_squeeze %dma_start3A_87 : memref<1x64xf32, #tpu.memory_space<vmem>> -> memref<64xf32, #tpu.memory_space<vmem>>
        %dma_start3A_89 = arith.constant 0 : i32
        %dma_start3A_90 = tpu.memref_slice %arg5[%squeeze3A_77, %dma_start3A_89] : memref<1000000x64xf32, #tpu.memory_space<hbm>> -> memref<1x64xf32, #tpu.memory_space<hbm>>
        %dma_start3A_91 = tpu.memref_squeeze %dma_start3A_90 : memref<1x64xf32, #tpu.memory_space<hbm>> -> memref<64xf32, #tpu.memory_space<hbm>>
        tpu.enqueue_dma source(%dma_start3A_91 : memref<64xf32, #tpu.memory_space<hbm>>) target(%dma_start3A_88 : memref<64xf32, #tpu.memory_space<vmem>>) target_semaphore(%arg17 : memref<!tpu.dma_semaphore, #tpu.memory_space<semaphore_mem>>)
        %slice3A_92 = vector.extract_strided_slice %get3A_25 {offsets = [2], sizes = [1], strides = [1]} : vector<16xi32> to vector<1xi32>
        %squeeze3A_93 = vector.extract %slice3A_92[0] : i32 from vector<1xi32>
        %add3A_94 = arith.constant 2 : i32
        %add3A_95 = arith.addi %mul3A_22, %add3A_94 : i32
        %dma_start3A_96 = arith.constant 0 : i32
        %dma_start3A_97 = tpu.memref_slice %arg11[%add3A_95, %dma_start3A_96] : memref<64x64xf32, #tpu.memory_space<vmem>> -> memref<1x64xf32, #tpu.memory_space<vmem>>
        %dma_start3A_98 = tpu.memref_squeeze %dma_start3A_97 : memref<1x64xf32, #tpu.memory_space<vmem>> -> memref<64xf32, #tpu.memory_space<vmem>>
        %dma_start3A_99 = arith.constant 0 : i32
        %dma_start3A_100 = tpu.memref_slice %arg4[%squeeze3A_93, %dma_start3A_99] : memref<100000x64xf32, #tpu.memory_space<hbm>> -> memref<1x64xf32, #tpu.memory_space<hbm>>
        %dma_start3A_101 = tpu.memref_squeeze %dma_start3A_100 : memref<1x64xf32, #tpu.memory_space<hbm>> -> memref<64xf32, #tpu.memory_space<hbm>>
        %dma_start3A_102 = arith.constant 0 : i32
        %dma_start3A_103 = tpu.memref_slice %arg11[%add3A_95, %dma_start3A_102] : memref<64x64xf32, #tpu.memory_space<vmem>> -> memref<1x64xf32, #tpu.memory_space<vmem>>
        %dma_start3A_104 = tpu.memref_squeeze %dma_start3A_103 : memref<1x64xf32, #tpu.memory_space<vmem>> -> memref<64xf32, #tpu.memory_space<vmem>>
        %dma_start3A_105 = arith.constant 0 : i32
        %dma_start3A_106 = tpu.memref_slice %arg4[%squeeze3A_93, %dma_start3A_105] : memref<100000x64xf32, #tpu.memory_space<hbm>> -> memref<1x64xf32, #tpu.memory_space<hbm>>
        %dma_start3A_107 = tpu.memref_squeeze %dma_start3A_106 : memref<1x64xf32, #tpu.memory_space<hbm>> -> memref<64xf32, #tpu.memory_space<hbm>>
        tpu.enqueue_dma source(%dma_start3A_107 : memref<64xf32, #tpu.memory_space<hbm>>) target(%dma_start3A_104 : memref<64xf32, #tpu.memory_space<vmem>>) target_semaphore(%arg16 : memref<!tpu.dma_semaphore, #tpu.memory_space<semaphore_mem>>)
        %slice3A_108 = vector.extract_strided_slice %get3A_29 {offsets = [2], sizes = [1], strides = [1]} : vector<16xi32> to vector<1xi32>
        %squeeze3A_109 = vector.extract %slice3A_108[0] : i32 from vector<1xi32>
        %add3A_110 = arith.constant 2 : i32
        %add3A_111 = arith.addi %mul3A_22, %add3A_110 : i32
        %dma_start3A_112 = arith.constant 0 : i32
        %dma_start3A_113 = tpu.memref_slice %arg12[%add3A_111, %dma_start3A_112] : memref<64x64xf32, #tpu.memory_space<vmem>> -> memref<1x64xf32, #tpu.memory_space<vmem>>
        %dma_start3A_114 = tpu.memref_squeeze %dma_start3A_113 : memref<1x64xf32, #tpu.memory_space<vmem>> -> memref<64xf32, #tpu.memory_space<vmem>>
        %dma_start3A_115 = arith.constant 0 : i32
        %dma_start3A_116 = tpu.memref_slice %arg5[%squeeze3A_109, %dma_start3A_115] : memref<1000000x64xf32, #tpu.memory_space<hbm>> -> memref<1x64xf32, #tpu.memory_space<hbm>>
        %dma_start3A_117 = tpu.memref_squeeze %dma_start3A_116 : memref<1x64xf32, #tpu.memory_space<hbm>> -> memref<64xf32, #tpu.memory_space<hbm>>
        %dma_start3A_118 = arith.constant 0 : i32
        %dma_start3A_119 = tpu.memref_slice %arg12[%add3A_111, %dma_start3A_118] : memref<64x64xf32, #tpu.memory_space<vmem>> -> memref<1x64xf32, #tpu.memory_space<vmem>>
        %dma_start3A_120 = tpu.memref_squeeze %dma_start3A_119 : memref<1x64xf32, #tpu.memory_space<vmem>> -> memref<64xf32, #tpu.memory_space<vmem>>
        %dma_start3A_121 = arith.constant 0 : i32
        %dma_start3A_122 = tpu.memref_slice %arg5[%squeeze3A_109, %dma_start3A_121] : memref<1000000x64xf32, #tpu.memory_space<hbm>> -> memref<1x64xf32, #tpu.memory_space<hbm>>
        %dma_start3A_123 = tpu.memref_squeeze %dma_start3A_122 : memref<1x64xf32, #tpu.memory_space<hbm>> -> memref<64xf32, #tpu.memory_space<hbm>>
        tpu.enqueue_dma source(%dma_start3A_123 : memref<64xf32, #tpu.memory_space<hbm>>) target(%dma_start3A_120 : memref<64xf32, #tpu.memory_space<vmem>>) target_semaphore(%arg17 : memref<!tpu.dma_semaphore, #tpu.memory_space<semaphore_mem>>)
        %slice3A_124 = vector.extract_strided_slice %get3A_25 {offsets = [3], sizes = [1], strides = [1]} : vector<16xi32> to vector<1xi32>
        %squeeze3A_125 = vector.extract %slice3A_124[0] : i32 from vector<1xi32>
        %add3A_126 = arith.constant 3 : i32
        %add3A_127 = arith.addi %mul3A_22, %add3A_126 : i32
        %dma_start3A_128 = arith.constant 0 : i32
        %dma_start3A_129 = tpu.memref_slice %arg11[%add3A_127, %dma_start3A_128] : memref<64x64xf32, #tpu.memory_space<vmem>> -> memref<1x64xf32, #tpu.memory_space<vmem>>
        %dma_start3A_130 = tpu.memref_squeeze %dma_start3A_129 : memref<1x64xf32, #tpu.memory_space<vmem>> -> memref<64xf32, #tpu.memory_space<vmem>>
        %dma_start3A_131 = arith.constant 0 : i32
        %dma_start3A_132 = tpu.memref_slice %arg4[%squeeze3A_125, %dma_start3A_131] : memref<100000x64xf32, #tpu.memory_space<hbm>> -> memref<1x64xf32, #tpu.memory_space<hbm>>
        %dma_start3A_133 = tpu.memref_squeeze %dma_start3A_132 : memref<1x64xf32, #tpu.memory_space<hbm>> -> memref<64xf32, #tpu.memory_space<hbm>>
        %dma_start3A_134 = arith.constant 0 : i32
        %dma_start3A_135 = tpu.memref_slice %arg11[%add3A_127, %dma_start3A_134] : memref<64x64xf32, #tpu.memory_space<vmem>> -> memref<1x64xf32, #tpu.memory_space<vmem>>
        %dma_start3A_136 = tpu.memref_squeeze %dma_start3A_135 : memref<1x64xf32, #tpu.memory_space<vmem>> -> memref<64xf32, #tpu.memory_space<vmem>>
        %dma_start3A_137 = arith.constant 0 : i32
        %dma_start3A_138 = tpu.memref_slice %arg4[%squeeze3A_125, %dma_start3A_137] : memref<100000x64xf32, #tpu.memory_space<hbm>> -> memref<1x64xf32, #tpu.memory_space<hbm>>
        %dma_start3A_139 = tpu.memref_squeeze %dma_start3A_138 : memref<1x64xf32, #tpu.memory_space<hbm>> -> memref<64xf32, #tpu.memory_space<hbm>>
        tpu.enqueue_dma source(%dma_start3A_139 : memref<64xf32, #tpu.memory_space<hbm>>) target(%dma_start3A_136 : memref<64xf32, #tpu.memory_space<vmem>>) target_semaphore(%arg16 : memref<!tpu.dma_semaphore, #tpu.memory_space<semaphore_mem>>)
        %slice3A_140 = vector.extract_strided_slice %get3A_29 {offsets = [3], sizes = [1], strides = [1]} : vector<16xi32> to vector<1xi32>
        %squeeze3A_141 = vector.extract %slice3A_140[0] : i32 from vector<1xi32>
        %add3A_142 = arith.constant 3 : i32
        %add3A_143 = arith.addi %mul3A_22, %add3A_142 : i32
        %dma_start3A_144 = arith.constant 0 : i32
        %dma_start3A_145 = tpu.memref_slice %arg12[%add3A_143, %dma_start3A_144] : memref<64x64xf32, #tpu.memory_space<vmem>> -> memref<1x64xf32, #tpu.memory_space<vmem>>
        %dma_start3A_146 = tpu.memref_squeeze %dma_start3A_145 : memref<1x64xf32, #tpu.memory_space<vmem>> -> memref<64xf32, #tpu.memory_space<vmem>>
        %dma_start3A_147 = arith.constant 0 : i32
        %dma_start3A_148 = tpu.memref_slice %arg5[%squeeze3A_141, %dma_start3A_147] : memref<1000000x64xf32, #tpu.memory_space<hbm>> -> memref<1x64xf32, #tpu.memory_space<hbm>>
        %dma_start3A_149 = tpu.memref_squeeze %dma_start3A_148 : memref<1x64xf32, #tpu.memory_space<hbm>> -> memref<64xf32, #tpu.memory_space<hbm>>
        %dma_start3A_150 = arith.constant 0 : i32
        %dma_start3A_151 = tpu.memref_slice %arg12[%add3A_143, %dma_start3A_150] : memref<64x64xf32, #tpu.memory_space<vmem>> -> memref<1x64xf32, #tpu.memory_space<vmem>>
        %dma_start3A_152 = tpu.memref_squeeze %dma_start3A_151 : memref<1x64xf32, #tpu.memory_space<vmem>> -> memref<64xf32, #tpu.memory_space<vmem>>
        %dma_start3A_153 = arith.constant 0 : i32
        %dma_start3A_154 = tpu.memref_slice %arg5[%squeeze3A_141, %dma_start3A_153] : memref<1000000x64xf32, #tpu.memory_space<hbm>> -> memref<1x64xf32, #tpu.memory_space<hbm>>
        %dma_start3A_155 = tpu.memref_squeeze %dma_start3A_154 : memref<1x64xf32, #tpu.memory_space<hbm>> -> memref<64xf32, #tpu.memory_space<hbm>>
        tpu.enqueue_dma source(%dma_start3A_155 : memref<64xf32, #tpu.memory_space<hbm>>) target(%dma_start3A_152 : memref<64xf32, #tpu.memory_space<vmem>>) target_semaphore(%arg17 : memref<!tpu.dma_semaphore, #tpu.memory_space<semaphore_mem>>)
        %slice3A_156 = vector.extract_strided_slice %get3A_25 {offsets = [4], sizes = [1], strides = [1]} : vector<16xi32> to vector<1xi32>
        %squeeze3A_157 = vector.extract %slice3A_156[0] : i32 from vector<1xi32>
        %add3A_158 = arith.constant 4 : i32
        %add3A_159 = arith.addi %mul3A_22, %add3A_158 : i32
        %dma_start3A_160 = arith.constant 0 : i32
        %dma_start3A_161 = tpu.memref_slice %arg11[%add3A_159, %dma_start3A_160] : memref<64x64xf32, #tpu.memory_space<vmem>> -> memref<1x64xf32, #tpu.memory_space<vmem>>
        %dma_start3A_162 = tpu.memref_squeeze %dma_start3A_161 : memref<1x64xf32, #tpu.memory_space<vmem>> -> memref<64xf32, #tpu.memory_space<vmem>>
        %dma_start3A_163 = arith.constant 0 : i32
        %dma_start3A_164 = tpu.memref_slice %arg4[%squeeze3A_157, %dma_start3A_163] : memref<100000x64xf32, #tpu.memory_space<hbm>> -> memref<1x64xf32, #tpu.memory_space<hbm>>
        %dma_start3A_165 = tpu.memref_squeeze %dma_start3A_164 : memref<1x64xf32, #tpu.memory_space<hbm>> -> memref<64xf32, #tpu.memory_space<hbm>>
        %dma_start3A_166 = arith.constant 0 : i32
        %dma_start3A_167 = tpu.memref_slice %arg11[%add3A_159, %dma_start3A_166] : memref<64x64xf32, #tpu.memory_space<vmem>> -> memref<1x64xf32, #tpu.memory_space<vmem>>
        %dma_start3A_168 = tpu.memref_squeeze %dma_start3A_167 : memref<1x64xf32, #tpu.memory_space<vmem>> -> memref<64xf32, #tpu.memory_space<vmem>>
        %dma_start3A_169 = arith.constant 0 : i32
        %dma_start3A_170 = tpu.memref_slice %arg4[%squeeze3A_157, %dma_start3A_169] : memref<100000x64xf32, #tpu.memory_space<hbm>> -> memref<1x64xf32, #tpu.memory_space<hbm>>
        %dma_start3A_171 = tpu.memref_squeeze %dma_start3A_170 : memref<1x64xf32, #tpu.memory_space<hbm>> -> memref<64xf32, #tpu.memory_space<hbm>>
        tpu.enqueue_dma source(%dma_start3A_171 : memref<64xf32, #tpu.memory_space<hbm>>) target(%dma_start3A_168 : memref<64xf32, #tpu.memory_space<vmem>>) target_semaphore(%arg16 : memref<!tpu.dma_semaphore, #tpu.memory_space<semaphore_mem>>)
        %slice3A_172 = vector.extract_strided_slice %get3A_29 {offsets = [4], sizes = [1], strides = [1]} : vector<16xi32> to vector<1xi32>
        %squeeze3A_173 = vector.extract %slice3A_172[0] : i32 from vector<1xi32>
        %add3A_174 = arith.constant 4 : i32
        %add3A_175 = arith.addi %mul3A_22, %add3A_174 : i32
        %dma_start3A_176 = arith.constant 0 : i32
        %dma_start3A_177 = tpu.memref_slice %arg12[%add3A_175, %dma_start3A_176] : memref<64x64xf32, #tpu.memory_space<vmem>> -> memref<1x64xf32, #tpu.memory_space<vmem>>
        %dma_start3A_178 = tpu.memref_squeeze %dma_start3A_177 : memref<1x64xf32, #tpu.memory_space<vmem>> -> memref<64xf32, #tpu.memory_space<vmem>>
        %dma_start3A_179 = arith.constant 0 : i32
        %dma_start3A_180 = tpu.memref_slice %arg5[%squeeze3A_173, %dma_start3A_179] : memref<1000000x64xf32, #tpu.memory_space<hbm>> -> memref<1x64xf32, #tpu.memory_space<hbm>>
        %dma_start3A_181 = tpu.memref_squeeze %dma_start3A_180 : memref<1x64xf32, #tpu.memory_space<hbm>> -> memref<64xf32, #tpu.memory_space<hbm>>
        %dma_start3A_182 = arith.constant 0 : i32
        %dma_start3A_183 = tpu.memref_slice %arg12[%add3A_175, %dma_start3A_182] : memref<64x64xf32, #tpu.memory_space<vmem>> -> memref<1x64xf32, #tpu.memory_space<vmem>>
        %dma_start3A_184 = tpu.memref_squeeze %dma_start3A_183 : memref<1x64xf32, #tpu.memory_space<vmem>> -> memref<64xf32, #tpu.memory_space<vmem>>
        %dma_start3A_185 = arith.constant 0 : i32
        %dma_start3A_186 = tpu.memref_slice %arg5[%squeeze3A_173, %dma_start3A_185] : memref<1000000x64xf32, #tpu.memory_space<hbm>> -> memref<1x64xf32, #tpu.memory_space<hbm>>
        %dma_start3A_187 = tpu.memref_squeeze %dma_start3A_186 : memref<1x64xf32, #tpu.memory_space<hbm>> -> memref<64xf32, #tpu.memory_space<hbm>>
        tpu.enqueue_dma source(%dma_start3A_187 : memref<64xf32, #tpu.memory_space<hbm>>) target(%dma_start3A_184 : memref<64xf32, #tpu.memory_space<vmem>>) target_semaphore(%arg17 : memref<!tpu.dma_semaphore, #tpu.memory_space<semaphore_mem>>)
        %slice3A_188 = vector.extract_strided_slice %get3A_25 {offsets = [5], sizes = [1], strides = [1]} : vector<16xi32> to vector<1xi32>
        %squeeze3A_189 = vector.extract %slice3A_188[0] : i32 from vector<1xi32>
        %add3A_190 = arith.constant 5 : i32
        %add3A_191 = arith.addi %mul3A_22, %add3A_190 : i32
        %dma_start3A_192 = arith.constant 0 : i32
        %dma_start3A_193 = tpu.memref_slice %arg11[%add3A_191, %dma_start3A_192] : memref<64x64xf32, #tpu.memory_space<vmem>> -> memref<1x64xf32, #tpu.memory_space<vmem>>
        %dma_start3A_194 = tpu.memref_squeeze %dma_start3A_193 : memref<1x64xf32, #tpu.memory_space<vmem>> -> memref<64xf32, #tpu.memory_space<vmem>>
        %dma_start3A_195 = arith.constant 0 : i32
        %dma_start3A_196 = tpu.memref_slice %arg4[%squeeze3A_189, %dma_start3A_195] : memref<100000x64xf32, #tpu.memory_space<hbm>> -> memref<1x64xf32, #tpu.memory_space<hbm>>
        %dma_start3A_197 = tpu.memref_squeeze %dma_start3A_196 : memref<1x64xf32, #tpu.memory_space<hbm>> -> memref<64xf32, #tpu.memory_space<hbm>>
        %dma_start3A_198 = arith.constant 0 : i32
        %dma_start3A_199 = tpu.memref_slice %arg11[%add3A_191, %dma_start3A_198] : memref<64x64xf32, #tpu.memory_space<vmem>> -> memref<1x64xf32, #tpu.memory_space<vmem>>
        %dma_start3A_200 = tpu.memref_squeeze %dma_start3A_199 : memref<1x64xf32, #tpu.memory_space<vmem>> -> memref<64xf32, #tpu.memory_space<vmem>>
        %dma_start3A_201 = arith.constant 0 : i32
        %dma_start3A_202 = tpu.memref_slice %arg4[%squeeze3A_189, %dma_start3A_201] : memref<100000x64xf32, #tpu.memory_space<hbm>> -> memref<1x64xf32, #tpu.memory_space<hbm>>
        %dma_start3A_203 = tpu.memref_squeeze %dma_start3A_202 : memref<1x64xf32, #tpu.memory_space<hbm>> -> memref<64xf32, #tpu.memory_space<hbm>>
        tpu.enqueue_dma source(%dma_start3A_203 : memref<64xf32, #tpu.memory_space<hbm>>) target(%dma_start3A_200 : memref<64xf32, #tpu.memory_space<vmem>>) target_semaphore(%arg16 : memref<!tpu.dma_semaphore, #tpu.memory_space<semaphore_mem>>)
        %slice3A_204 = vector.extract_strided_slice %get3A_29 {offsets = [5], sizes = [1], strides = [1]} : vector<16xi32> to vector<1xi32>
        %squeeze3A_205 = vector.extract %slice3A_204[0] : i32 from vector<1xi32>
        %add3A_206 = arith.constant 5 : i32
        %add3A_207 = arith.addi %mul3A_22, %add3A_206 : i32
        %dma_start3A_208 = arith.constant 0 : i32
        %dma_start3A_209 = tpu.memref_slice %arg12[%add3A_207, %dma_start3A_208] : memref<64x64xf32, #tpu.memory_space<vmem>> -> memref<1x64xf32, #tpu.memory_space<vmem>>
        %dma_start3A_210 = tpu.memref_squeeze %dma_start3A_209 : memref<1x64xf32, #tpu.memory_space<vmem>> -> memref<64xf32, #tpu.memory_space<vmem>>
        %dma_start3A_211 = arith.constant 0 : i32
        %dma_start3A_212 = tpu.memref_slice %arg5[%squeeze3A_205, %dma_start3A_211] : memref<1000000x64xf32, #tpu.memory_space<hbm>> -> memref<1x64xf32, #tpu.memory_space<hbm>>
        %dma_start3A_213 = tpu.memref_squeeze %dma_start3A_212 : memref<1x64xf32, #tpu.memory_space<hbm>> -> memref<64xf32, #tpu.memory_space<hbm>>
        %dma_start3A_214 = arith.constant 0 : i32
        %dma_start3A_215 = tpu.memref_slice %arg12[%add3A_207, %dma_start3A_214] : memref<64x64xf32, #tpu.memory_space<vmem>> -> memref<1x64xf32, #tpu.memory_space<vmem>>
        %dma_start3A_216 = tpu.memref_squeeze %dma_start3A_215 : memref<1x64xf32, #tpu.memory_space<vmem>> -> memref<64xf32, #tpu.memory_space<vmem>>
        %dma_start3A_217 = arith.constant 0 : i32
        %dma_start3A_218 = tpu.memref_slice %arg5[%squeeze3A_205, %dma_start3A_217] : memref<1000000x64xf32, #tpu.memory_space<hbm>> -> memref<1x64xf32, #tpu.memory_space<hbm>>
        %dma_start3A_219 = tpu.memref_squeeze %dma_start3A_218 : memref<1x64xf32, #tpu.memory_space<hbm>> -> memref<64xf32, #tpu.memory_space<hbm>>
        tpu.enqueue_dma source(%dma_start3A_219 : memref<64xf32, #tpu.memory_space<hbm>>) target(%dma_start3A_216 : memref<64xf32, #tpu.memory_space<vmem>>) target_semaphore(%arg17 : memref<!tpu.dma_semaphore, #tpu.memory_space<semaphore_mem>>)
        %slice3A_220 = vector.extract_strided_slice %get3A_25 {offsets = [6], sizes = [1], strides = [1]} : vector<16xi32> to vector<1xi32>
        %squeeze3A_221 = vector.extract %slice3A_220[0] : i32 from vector<1xi32>
        %add3A_222 = arith.constant 6 : i32
        %add3A_223 = arith.addi %mul3A_22, %add3A_222 : i32
        %dma_start3A_224 = arith.constant 0 : i32
        %dma_start3A_225 = tpu.memref_slice %arg11[%add3A_223, %dma_start3A_224] : memref<64x64xf32, #tpu.memory_space<vmem>> -> memref<1x64xf32, #tpu.memory_space<vmem>>
        %dma_start3A_226 = tpu.memref_squeeze %dma_start3A_225 : memref<1x64xf32, #tpu.memory_space<vmem>> -> memref<64xf32, #tpu.memory_space<vmem>>
        %dma_start3A_227 = arith.constant 0 : i32
        %dma_start3A_228 = tpu.memref_slice %arg4[%squeeze3A_221, %dma_start3A_227] : memref<100000x64xf32, #tpu.memory_space<hbm>> -> memref<1x64xf32, #tpu.memory_space<hbm>>
        %dma_start3A_229 = tpu.memref_squeeze %dma_start3A_228 : memref<1x64xf32, #tpu.memory_space<hbm>> -> memref<64xf32, #tpu.memory_space<hbm>>
        %dma_start3A_230 = arith.constant 0 : i32
        %dma_start3A_231 = tpu.memref_slice %arg11[%add3A_223, %dma_start3A_230] : memref<64x64xf32, #tpu.memory_space<vmem>> -> memref<1x64xf32, #tpu.memory_space<vmem>>
        %dma_start3A_232 = tpu.memref_squeeze %dma_start3A_231 : memref<1x64xf32, #tpu.memory_space<vmem>> -> memref<64xf32, #tpu.memory_space<vmem>>
        %dma_start3A_233 = arith.constant 0 : i32
        %dma_start3A_234 = tpu.memref_slice %arg4[%squeeze3A_221, %dma_start3A_233] : memref<100000x64xf32, #tpu.memory_space<hbm>> -> memref<1x64xf32, #tpu.memory_space<hbm>>
        %dma_start3A_235 = tpu.memref_squeeze %dma_start3A_234 : memref<1x64xf32, #tpu.memory_space<hbm>> -> memref<64xf32, #tpu.memory_space<hbm>>
        tpu.enqueue_dma source(%dma_start3A_235 : memref<64xf32, #tpu.memory_space<hbm>>) target(%dma_start3A_232 : memref<64xf32, #tpu.memory_space<vmem>>) target_semaphore(%arg16 : memref<!tpu.dma_semaphore, #tpu.memory_space<semaphore_mem>>)
        %slice3A_236 = vector.extract_strided_slice %get3A_29 {offsets = [6], sizes = [1], strides = [1]} : vector<16xi32> to vector<1xi32>
        %squeeze3A_237 = vector.extract %slice3A_236[0] : i32 from vector<1xi32>
        %add3A_238 = arith.constant 6 : i32
        %add3A_239 = arith.addi %mul3A_22, %add3A_238 : i32
        %dma_start3A_240 = arith.constant 0 : i32
        %dma_start3A_241 = tpu.memref_slice %arg12[%add3A_239, %dma_start3A_240] : memref<64x64xf32, #tpu.memory_space<vmem>> -> memref<1x64xf32, #tpu.memory_space<vmem>>
        %dma_start3A_242 = tpu.memref_squeeze %dma_start3A_241 : memref<1x64xf32, #tpu.memory_space<vmem>> -> memref<64xf32, #tpu.memory_space<vmem>>
        %dma_start3A_243 = arith.constant 0 : i32
        %dma_start3A_244 = tpu.memref_slice %arg5[%squeeze3A_237, %dma_start3A_243] : memref<1000000x64xf32, #tpu.memory_space<hbm>> -> memref<1x64xf32, #tpu.memory_space<hbm>>
        %dma_start3A_245 = tpu.memref_squeeze %dma_start3A_244 : memref<1x64xf32, #tpu.memory_space<hbm>> -> memref<64xf32, #tpu.memory_space<hbm>>
        %dma_start3A_246 = arith.constant 0 : i32
        %dma_start3A_247 = tpu.memref_slice %arg12[%add3A_239, %dma_start3A_246] : memref<64x64xf32, #tpu.memory_space<vmem>> -> memref<1x64xf32, #tpu.memory_space<vmem>>
        %dma_start3A_248 = tpu.memref_squeeze %dma_start3A_247 : memref<1x64xf32, #tpu.memory_space<vmem>> -> memref<64xf32, #tpu.memory_space<vmem>>
        %dma_start3A_249 = arith.constant 0 : i32
        %dma_start3A_250 = tpu.memref_slice %arg5[%squeeze3A_237, %dma_start3A_249] : memref<1000000x64xf32, #tpu.memory_space<hbm>> -> memref<1x64xf32, #tpu.memory_space<hbm>>
        %dma_start3A_251 = tpu.memref_squeeze %dma_start3A_250 : memref<1x64xf32, #tpu.memory_space<hbm>> -> memref<64xf32, #tpu.memory_space<hbm>>
        tpu.enqueue_dma source(%dma_start3A_251 : memref<64xf32, #tpu.memory_space<hbm>>) target(%dma_start3A_248 : memref<64xf32, #tpu.memory_space<vmem>>) target_semaphore(%arg17 : memref<!tpu.dma_semaphore, #tpu.memory_space<semaphore_mem>>)
        %slice3A_252 = vector.extract_strided_slice %get3A_25 {offsets = [7], sizes = [1], strides = [1]} : vector<16xi32> to vector<1xi32>
        %squeeze3A_253 = vector.extract %slice3A_252[0] : i32 from vector<1xi32>
        %add3A_254 = arith.constant 7 : i32
        %add3A_255 = arith.addi %mul3A_22, %add3A_254 : i32
        %dma_start3A_256 = arith.constant 0 : i32
        %dma_start3A_257 = tpu.memref_slice %arg11[%add3A_255, %dma_start3A_256] : memref<64x64xf32, #tpu.memory_space<vmem>> -> memref<1x64xf32, #tpu.memory_space<vmem>>
        %dma_start3A_258 = tpu.memref_squeeze %dma_start3A_257 : memref<1x64xf32, #tpu.memory_space<vmem>> -> memref<64xf32, #tpu.memory_space<vmem>>
        %dma_start3A_259 = arith.constant 0 : i32
        %dma_start3A_260 = tpu.memref_slice %arg4[%squeeze3A_253, %dma_start3A_259] : memref<100000x64xf32, #tpu.memory_space<hbm>> -> memref<1x64xf32, #tpu.memory_space<hbm>>
        %dma_start3A_261 = tpu.memref_squeeze %dma_start3A_260 : memref<1x64xf32, #tpu.memory_space<hbm>> -> memref<64xf32, #tpu.memory_space<hbm>>
        %dma_start3A_262 = arith.constant 0 : i32
        %dma_start3A_263 = tpu.memref_slice %arg11[%add3A_255, %dma_start3A_262] : memref<64x64xf32, #tpu.memory_space<vmem>> -> memref<1x64xf32, #tpu.memory_space<vmem>>
        %dma_start3A_264 = tpu.memref_squeeze %dma_start3A_263 : memref<1x64xf32, #tpu.memory_space<vmem>> -> memref<64xf32, #tpu.memory_space<vmem>>
        %dma_start3A_265 = arith.constant 0 : i32
        %dma_start3A_266 = tpu.memref_slice %arg4[%squeeze3A_253, %dma_start3A_265] : memref<100000x64xf32, #tpu.memory_space<hbm>> -> memref<1x64xf32, #tpu.memory_space<hbm>>
        %dma_start3A_267 = tpu.memref_squeeze %dma_start3A_266 : memref<1x64xf32, #tpu.memory_space<hbm>> -> memref<64xf32, #tpu.memory_space<hbm>>
        tpu.enqueue_dma source(%dma_start3A_267 : memref<64xf32, #tpu.memory_space<hbm>>) target(%dma_start3A_264 : memref<64xf32, #tpu.memory_space<vmem>>) target_semaphore(%arg16 : memref<!tpu.dma_semaphore, #tpu.memory_space<semaphore_mem>>)
        %slice3A_268 = vector.extract_strided_slice %get3A_29 {offsets = [7], sizes = [1], strides = [1]} : vector<16xi32> to vector<1xi32>
        %squeeze3A_269 = vector.extract %slice3A_268[0] : i32 from vector<1xi32>
        %add3A_270 = arith.constant 7 : i32
        %add3A_271 = arith.addi %mul3A_22, %add3A_270 : i32
        %dma_start3A_272 = arith.constant 0 : i32
        %dma_start3A_273 = tpu.memref_slice %arg12[%add3A_271, %dma_start3A_272] : memref<64x64xf32, #tpu.memory_space<vmem>> -> memref<1x64xf32, #tpu.memory_space<vmem>>
        %dma_start3A_274 = tpu.memref_squeeze %dma_start3A_273 : memref<1x64xf32, #tpu.memory_space<vmem>> -> memref<64xf32, #tpu.memory_space<vmem>>
        %dma_start3A_275 = arith.constant 0 : i32
        %dma_start3A_276 = tpu.memref_slice %arg5[%squeeze3A_269, %dma_start3A_275] : memref<1000000x64xf32, #tpu.memory_space<hbm>> -> memref<1x64xf32, #tpu.memory_space<hbm>>
        %dma_start3A_277 = tpu.memref_squeeze %dma_start3A_276 : memref<1x64xf32, #tpu.memory_space<hbm>> -> memref<64xf32, #tpu.memory_space<hbm>>
        %dma_start3A_278 = arith.constant 0 : i32
        %dma_start3A_279 = tpu.memref_slice %arg12[%add3A_271, %dma_start3A_278] : memref<64x64xf32, #tpu.memory_space<vmem>> -> memref<1x64xf32, #tpu.memory_space<vmem>>
        %dma_start3A_280 = tpu.memref_squeeze %dma_start3A_279 : memref<1x64xf32, #tpu.memory_space<vmem>> -> memref<64xf32, #tpu.memory_space<vmem>>
        %dma_start3A_281 = arith.constant 0 : i32
        %dma_start3A_282 = tpu.memref_slice %arg5[%squeeze3A_269, %dma_start3A_281] : memref<1000000x64xf32, #tpu.memory_space<hbm>> -> memref<1x64xf32, #tpu.memory_space<hbm>>
        %dma_start3A_283 = tpu.memref_squeeze %dma_start3A_282 : memref<1x64xf32, #tpu.memory_space<hbm>> -> memref<64xf32, #tpu.memory_space<hbm>>
        tpu.enqueue_dma source(%dma_start3A_283 : memref<64xf32, #tpu.memory_space<hbm>>) target(%dma_start3A_280 : memref<64xf32, #tpu.memory_space<vmem>>) target_semaphore(%arg17 : memref<!tpu.dma_semaphore, #tpu.memory_space<semaphore_mem>>)
        %slice3A_284 = vector.extract_strided_slice %get3A_25 {offsets = [8], sizes = [1], strides = [1]} : vector<16xi32> to vector<1xi32>
        %squeeze3A_285 = vector.extract %slice3A_284[0] : i32 from vector<1xi32>
        %add3A_286 = arith.constant 8 : i32
        %add3A_287 = arith.addi %mul3A_22, %add3A_286 : i32
        %dma_start3A_288 = arith.constant 0 : i32
        %dma_start3A_289 = tpu.memref_slice %arg11[%add3A_287, %dma_start3A_288] : memref<64x64xf32, #tpu.memory_space<vmem>> -> memref<1x64xf32, #tpu.memory_space<vmem>>
        %dma_start3A_290 = tpu.memref_squeeze %dma_start3A_289 : memref<1x64xf32, #tpu.memory_space<vmem>> -> memref<64xf32, #tpu.memory_space<vmem>>
        %dma_start3A_291 = arith.constant 0 : i32
        %dma_start3A_292 = tpu.memref_slice %arg4[%squeeze3A_285, %dma_start3A_291] : memref<100000x64xf32, #tpu.memory_space<hbm>> -> memref<1x64xf32, #tpu.memory_space<hbm>>
        %dma_start3A_293 = tpu.memref_squeeze %dma_start3A_292 : memref<1x64xf32, #tpu.memory_space<hbm>> -> memref<64xf32, #tpu.memory_space<hbm>>
        %dma_start3A_294 = arith.constant 0 : i32
        %dma_start3A_295 = tpu.memref_slice %arg11[%add3A_287, %dma_start3A_294] : memref<64x64xf32, #tpu.memory_space<vmem>> -> memref<1x64xf32, #tpu.memory_space<vmem>>
        %dma_start3A_296 = tpu.memref_squeeze %dma_start3A_295 : memref<1x64xf32, #tpu.memory_space<vmem>> -> memref<64xf32, #tpu.memory_space<vmem>>
        %dma_start3A_297 = arith.constant 0 : i32
        %dma_start3A_298 = tpu.memref_slice %arg4[%squeeze3A_285, %dma_start3A_297] : memref<100000x64xf32, #tpu.memory_space<hbm>> -> memref<1x64xf32, #tpu.memory_space<hbm>>
        %dma_start3A_299 = tpu.memref_squeeze %dma_start3A_298 : memref<1x64xf32, #tpu.memory_space<hbm>> -> memref<64xf32, #tpu.memory_space<hbm>>
        tpu.enqueue_dma source(%dma_start3A_299 : memref<64xf32, #tpu.memory_space<hbm>>) target(%dma_start3A_296 : memref<64xf32, #tpu.memory_space<vmem>>) target_semaphore(%arg16 : memref<!tpu.dma_semaphore, #tpu.memory_space<semaphore_mem>>)
        %slice3A_300 = vector.extract_strided_slice %get3A_29 {offsets = [8], sizes = [1], strides = [1]} : vector<16xi32> to vector<1xi32>
        %squeeze3A_301 = vector.extract %slice3A_300[0] : i32 from vector<1xi32>
        %add3A_302 = arith.constant 8 : i32
        %add3A_303 = arith.addi %mul3A_22, %add3A_302 : i32
        %dma_start3A_304 = arith.constant 0 : i32
        %dma_start3A_305 = tpu.memref_slice %arg12[%add3A_303, %dma_start3A_304] : memref<64x64xf32, #tpu.memory_space<vmem>> -> memref<1x64xf32, #tpu.memory_space<vmem>>
        %dma_start3A_306 = tpu.memref_squeeze %dma_start3A_305 : memref<1x64xf32, #tpu.memory_space<vmem>> -> memref<64xf32, #tpu.memory_space<vmem>>
        %dma_start3A_307 = arith.constant 0 : i32
        %dma_start3A_308 = tpu.memref_slice %arg5[%squeeze3A_301, %dma_start3A_307] : memref<1000000x64xf32, #tpu.memory_space<hbm>> -> memref<1x64xf32, #tpu.memory_space<hbm>>
        %dma_start3A_309 = tpu.memref_squeeze %dma_start3A_308 : memref<1x64xf32, #tpu.memory_space<hbm>> -> memref<64xf32, #tpu.memory_space<hbm>>
        %dma_start3A_310 = arith.constant 0 : i32
        %dma_start3A_311 = tpu.memref_slice %arg12[%add3A_303, %dma_start3A_310] : memref<64x64xf32, #tpu.memory_space<vmem>> -> memref<1x64xf32, #tpu.memory_space<vmem>>
        %dma_start3A_312 = tpu.memref_squeeze %dma_start3A_311 : memref<1x64xf32, #tpu.memory_space<vmem>> -> memref<64xf32, #tpu.memory_space<vmem>>
        %dma_start3A_313 = arith.constant 0 : i32
        %dma_start3A_314 = tpu.memref_slice %arg5[%squeeze3A_301, %dma_start3A_313] : memref<1000000x64xf32, #tpu.memory_space<hbm>> -> memref<1x64xf32, #tpu.memory_space<hbm>>
        %dma_start3A_315 = tpu.memref_squeeze %dma_start3A_314 : memref<1x64xf32, #tpu.memory_space<hbm>> -> memref<64xf32, #tpu.memory_space<hbm>>
        tpu.enqueue_dma source(%dma_start3A_315 : memref<64xf32, #tpu.memory_space<hbm>>) target(%dma_start3A_312 : memref<64xf32, #tpu.memory_space<vmem>>) target_semaphore(%arg17 : memref<!tpu.dma_semaphore, #tpu.memory_space<semaphore_mem>>)
        %slice3A_316 = vector.extract_strided_slice %get3A_25 {offsets = [9], sizes = [1], strides = [1]} : vector<16xi32> to vector<1xi32>
        %squeeze3A_317 = vector.extract %slice3A_316[0] : i32 from vector<1xi32>
        %add3A_318 = arith.constant 9 : i32
        %add3A_319 = arith.addi %mul3A_22, %add3A_318 : i32
        %dma_start3A_320 = arith.constant 0 : i32
        %dma_start3A_321 = tpu.memref_slice %arg11[%add3A_319, %dma_start3A_320] : memref<64x64xf32, #tpu.memory_space<vmem>> -> memref<1x64xf32, #tpu.memory_space<vmem>>
        %dma_start3A_322 = tpu.memref_squeeze %dma_start3A_321 : memref<1x64xf32, #tpu.memory_space<vmem>> -> memref<64xf32, #tpu.memory_space<vmem>>
        %dma_start3A_323 = arith.constant 0 : i32
        %dma_start3A_324 = tpu.memref_slice %arg4[%squeeze3A_317, %dma_start3A_323] : memref<100000x64xf32, #tpu.memory_space<hbm>> -> memref<1x64xf32, #tpu.memory_space<hbm>>
        %dma_start3A_325 = tpu.memref_squeeze %dma_start3A_324 : memref<1x64xf32, #tpu.memory_space<hbm>> -> memref<64xf32, #tpu.memory_space<hbm>>
        %dma_start3A_326 = arith.constant 0 : i32
        %dma_start3A_327 = tpu.memref_slice %arg11[%add3A_319, %dma_start3A_326] : memref<64x64xf32, #tpu.memory_space<vmem>> -> memref<1x64xf32, #tpu.memory_space<vmem>>
        %dma_start3A_328 = tpu.memref_squeeze %dma_start3A_327 : memref<1x64xf32, #tpu.memory_space<vmem>> -> memref<64xf32, #tpu.memory_space<vmem>>
        %dma_start3A_329 = arith.constant 0 : i32
        %dma_start3A_330 = tpu.memref_slice %arg4[%squeeze3A_317, %dma_start3A_329] : memref<100000x64xf32, #tpu.memory_space<hbm>> -> memref<1x64xf32, #tpu.memory_space<hbm>>
        %dma_start3A_331 = tpu.memref_squeeze %dma_start3A_330 : memref<1x64xf32, #tpu.memory_space<hbm>> -> memref<64xf32, #tpu.memory_space<hbm>>
        tpu.enqueue_dma source(%dma_start3A_331 : memref<64xf32, #tpu.memory_space<hbm>>) target(%dma_start3A_328 : memref<64xf32, #tpu.memory_space<vmem>>) target_semaphore(%arg16 : memref<!tpu.dma_semaphore, #tpu.memory_space<semaphore_mem>>)
        %slice3A_332 = vector.extract_strided_slice %get3A_29 {offsets = [9], sizes = [1], strides = [1]} : vector<16xi32> to vector<1xi32>
        %squeeze3A_333 = vector.extract %slice3A_332[0] : i32 from vector<1xi32>
        %add3A_334 = arith.constant 9 : i32
        %add3A_335 = arith.addi %mul3A_22, %add3A_334 : i32
        %dma_start3A_336 = arith.constant 0 : i32
        %dma_start3A_337 = tpu.memref_slice %arg12[%add3A_335, %dma_start3A_336] : memref<64x64xf32, #tpu.memory_space<vmem>> -> memref<1x64xf32, #tpu.memory_space<vmem>>
        %dma_start3A_338 = tpu.memref_squeeze %dma_start3A_337 : memref<1x64xf32, #tpu.memory_space<vmem>> -> memref<64xf32, #tpu.memory_space<vmem>>
        %dma_start3A_339 = arith.constant 0 : i32
        %dma_start3A_340 = tpu.memref_slice %arg5[%squeeze3A_333, %dma_start3A_339] : memref<1000000x64xf32, #tpu.memory_space<hbm>> -> memref<1x64xf32, #tpu.memory_space<hbm>>
        %dma_start3A_341 = tpu.memref_squeeze %dma_start3A_340 : memref<1x64xf32, #tpu.memory_space<hbm>> -> memref<64xf32, #tpu.memory_space<hbm>>
        %dma_start3A_342 = arith.constant 0 : i32
        %dma_start3A_343 = tpu.memref_slice %arg12[%add3A_335, %dma_start3A_342] : memref<64x64xf32, #tpu.memory_space<vmem>> -> memref<1x64xf32, #tpu.memory_space<vmem>>
        %dma_start3A_344 = tpu.memref_squeeze %dma_start3A_343 : memref<1x64xf32, #tpu.memory_space<vmem>> -> memref<64xf32, #tpu.memory_space<vmem>>
        %dma_start3A_345 = arith.constant 0 : i32
        %dma_start3A_346 = tpu.memref_slice %arg5[%squeeze3A_333, %dma_start3A_345] : memref<1000000x64xf32, #tpu.memory_space<hbm>> -> memref<1x64xf32, #tpu.memory_space<hbm>>
        %dma_start3A_347 = tpu.memref_squeeze %dma_start3A_346 : memref<1x64xf32, #tpu.memory_space<hbm>> -> memref<64xf32, #tpu.memory_space<hbm>>
        tpu.enqueue_dma source(%dma_start3A_347 : memref<64xf32, #tpu.memory_space<hbm>>) target(%dma_start3A_344 : memref<64xf32, #tpu.memory_space<vmem>>) target_semaphore(%arg17 : memref<!tpu.dma_semaphore, #tpu.memory_space<semaphore_mem>>)
        %slice3A_348 = vector.extract_strided_slice %get3A_25 {offsets = [10], sizes = [1], strides = [1]} : vector<16xi32> to vector<1xi32>
        %squeeze3A_349 = vector.extract %slice3A_348[0] : i32 from vector<1xi32>
        %add3A_350 = arith.constant 10 : i32
        %add3A_351 = arith.addi %mul3A_22, %add3A_350 : i32
        %dma_start3A_352 = arith.constant 0 : i32
        %dma_start3A_353 = tpu.memref_slice %arg11[%add3A_351, %dma_start3A_352] : memref<64x64xf32, #tpu.memory_space<vmem>> -> memref<1x64xf32, #tpu.memory_space<vmem>>
        %dma_start3A_354 = tpu.memref_squeeze %dma_start3A_353 : memref<1x64xf32, #tpu.memory_space<vmem>> -> memref<64xf32, #tpu.memory_space<vmem>>
        %dma_start3A_355 = arith.constant 0 : i32
        %dma_start3A_356 = tpu.memref_slice %arg4[%squeeze3A_349, %dma_start3A_355] : memref<100000x64xf32, #tpu.memory_space<hbm>> -> memref<1x64xf32, #tpu.memory_space<hbm>>
        %dma_start3A_357 = tpu.memref_squeeze %dma_start3A_356 : memref<1x64xf32, #tpu.memory_space<hbm>> -> memref<64xf32, #tpu.memory_space<hbm>>
        %dma_start3A_358 = arith.constant 0 : i32
        %dma_start3A_359 = tpu.memref_slice %arg11[%add3A_351, %dma_start3A_358] : memref<64x64xf32, #tpu.memory_space<vmem>> -> memref<1x64xf32, #tpu.memory_space<vmem>>
        %dma_start3A_360 = tpu.memref_squeeze %dma_start3A_359 : memref<1x64xf32, #tpu.memory_space<vmem>> -> memref<64xf32, #tpu.memory_space<vmem>>
        %dma_start3A_361 = arith.constant 0 : i32
        %dma_start3A_362 = tpu.memref_slice %arg4[%squeeze3A_349, %dma_start3A_361] : memref<100000x64xf32, #tpu.memory_space<hbm>> -> memref<1x64xf32, #tpu.memory_space<hbm>>
        %dma_start3A_363 = tpu.memref_squeeze %dma_start3A_362 : memref<1x64xf32, #tpu.memory_space<hbm>> -> memref<64xf32, #tpu.memory_space<hbm>>
        tpu.enqueue_dma source(%dma_start3A_363 : memref<64xf32, #tpu.memory_space<hbm>>) target(%dma_start3A_360 : memref<64xf32, #tpu.memory_space<vmem>>) target_semaphore(%arg16 : memref<!tpu.dma_semaphore, #tpu.memory_space<semaphore_mem>>)
        %slice3A_364 = vector.extract_strided_slice %get3A_29 {offsets = [10], sizes = [1], strides = [1]} : vector<16xi32> to vector<1xi32>
        %squeeze3A_365 = vector.extract %slice3A_364[0] : i32 from vector<1xi32>
        %add3A_366 = arith.constant 10 : i32
        %add3A_367 = arith.addi %mul3A_22, %add3A_366 : i32
        %dma_start3A_368 = arith.constant 0 : i32
        %dma_start3A_369 = tpu.memref_slice %arg12[%add3A_367, %dma_start3A_368] : memref<64x64xf32, #tpu.memory_space<vmem>> -> memref<1x64xf32, #tpu.memory_space<vmem>>
        %dma_start3A_370 = tpu.memref_squeeze %dma_start3A_369 : memref<1x64xf32, #tpu.memory_space<vmem>> -> memref<64xf32, #tpu.memory_space<vmem>>
        %dma_start3A_371 = arith.constant 0 : i32
        %dma_start3A_372 = tpu.memref_slice %arg5[%squeeze3A_365, %dma_start3A_371] : memref<1000000x64xf32, #tpu.memory_space<hbm>> -> memref<1x64xf32, #tpu.memory_space<hbm>>
        %dma_start3A_373 = tpu.memref_squeeze %dma_start3A_372 : memref<1x64xf32, #tpu.memory_space<hbm>> -> memref<64xf32, #tpu.memory_space<hbm>>
        %dma_start3A_374 = arith.constant 0 : i32
        %dma_start3A_375 = tpu.memref_slice %arg12[%add3A_367, %dma_start3A_374] : memref<64x64xf32, #tpu.memory_space<vmem>> -> memref<1x64xf32, #tpu.memory_space<vmem>>
        %dma_start3A_376 = tpu.memref_squeeze %dma_start3A_375 : memref<1x64xf32, #tpu.memory_space<vmem>> -> memref<64xf32, #tpu.memory_space<vmem>>
        %dma_start3A_377 = arith.constant 0 : i32
        %dma_start3A_378 = tpu.memref_slice %arg5[%squeeze3A_365, %dma_start3A_377] : memref<1000000x64xf32, #tpu.memory_space<hbm>> -> memref<1x64xf32, #tpu.memory_space<hbm>>
        %dma_start3A_379 = tpu.memref_squeeze %dma_start3A_378 : memref<1x64xf32, #tpu.memory_space<hbm>> -> memref<64xf32, #tpu.memory_space<hbm>>
        tpu.enqueue_dma source(%dma_start3A_379 : memref<64xf32, #tpu.memory_space<hbm>>) target(%dma_start3A_376 : memref<64xf32, #tpu.memory_space<vmem>>) target_semaphore(%arg17 : memref<!tpu.dma_semaphore, #tpu.memory_space<semaphore_mem>>)
        %slice3A_380 = vector.extract_strided_slice %get3A_25 {offsets = [11], sizes = [1], strides = [1]} : vector<16xi32> to vector<1xi32>
        %squeeze3A_381 = vector.extract %slice3A_380[0] : i32 from vector<1xi32>
        %add3A_382 = arith.constant 11 : i32
        %add3A_383 = arith.addi %mul3A_22, %add3A_382 : i32
        %dma_start3A_384 = arith.constant 0 : i32
        %dma_start3A_385 = tpu.memref_slice %arg11[%add3A_383, %dma_start3A_384] : memref<64x64xf32, #tpu.memory_space<vmem>> -> memref<1x64xf32, #tpu.memory_space<vmem>>
        %dma_start3A_386 = tpu.memref_squeeze %dma_start3A_385 : memref<1x64xf32, #tpu.memory_space<vmem>> -> memref<64xf32, #tpu.memory_space<vmem>>
        %dma_start3A_387 = arith.constant 0 : i32
        %dma_start3A_388 = tpu.memref_slice %arg4[%squeeze3A_381, %dma_start3A_387] : memref<100000x64xf32, #tpu.memory_space<hbm>> -> memref<1x64xf32, #tpu.memory_space<hbm>>
        %dma_start3A_389 = tpu.memref_squeeze %dma_start3A_388 : memref<1x64xf32, #tpu.memory_space<hbm>> -> memref<64xf32, #tpu.memory_space<hbm>>
        %dma_start3A_390 = arith.constant 0 : i32
        %dma_start3A_391 = tpu.memref_slice %arg11[%add3A_383, %dma_start3A_390] : memref<64x64xf32, #tpu.memory_space<vmem>> -> memref<1x64xf32, #tpu.memory_space<vmem>>
        %dma_start3A_392 = tpu.memref_squeeze %dma_start3A_391 : memref<1x64xf32, #tpu.memory_space<vmem>> -> memref<64xf32, #tpu.memory_space<vmem>>
        %dma_start3A_393 = arith.constant 0 : i32
        %dma_start3A_394 = tpu.memref_slice %arg4[%squeeze3A_381, %dma_start3A_393] : memref<100000x64xf32, #tpu.memory_space<hbm>> -> memref<1x64xf32, #tpu.memory_space<hbm>>
        %dma_start3A_395 = tpu.memref_squeeze %dma_start3A_394 : memref<1x64xf32, #tpu.memory_space<hbm>> -> memref<64xf32, #tpu.memory_space<hbm>>
        tpu.enqueue_dma source(%dma_start3A_395 : memref<64xf32, #tpu.memory_space<hbm>>) target(%dma_start3A_392 : memref<64xf32, #tpu.memory_space<vmem>>) target_semaphore(%arg16 : memref<!tpu.dma_semaphore, #tpu.memory_space<semaphore_mem>>)
        %slice3A_396 = vector.extract_strided_slice %get3A_29 {offsets = [11], sizes = [1], strides = [1]} : vector<16xi32> to vector<1xi32>
        %squeeze3A_397 = vector.extract %slice3A_396[0] : i32 from vector<1xi32>
        %add3A_398 = arith.constant 11 : i32
        %add3A_399 = arith.addi %mul3A_22, %add3A_398 : i32
        %dma_start3A_400 = arith.constant 0 : i32
        %dma_start3A_401 = tpu.memref_slice %arg12[%add3A_399, %dma_start3A_400] : memref<64x64xf32, #tpu.memory_space<vmem>> -> memref<1x64xf32, #tpu.memory_space<vmem>>
        %dma_start3A_402 = tpu.memref_squeeze %dma_start3A_401 : memref<1x64xf32, #tpu.memory_space<vmem>> -> memref<64xf32, #tpu.memory_space<vmem>>
        %dma_start3A_403 = arith.constant 0 : i32
        %dma_start3A_404 = tpu.memref_slice %arg5[%squeeze3A_397, %dma_start3A_403] : memref<1000000x64xf32, #tpu.memory_space<hbm>> -> memref<1x64xf32, #tpu.memory_space<hbm>>
        %dma_start3A_405 = tpu.memref_squeeze %dma_start3A_404 : memref<1x64xf32, #tpu.memory_space<hbm>> -> memref<64xf32, #tpu.memory_space<hbm>>
        %dma_start3A_406 = arith.constant 0 : i32
        %dma_start3A_407 = tpu.memref_slice %arg12[%add3A_399, %dma_start3A_406] : memref<64x64xf32, #tpu.memory_space<vmem>> -> memref<1x64xf32, #tpu.memory_space<vmem>>
        %dma_start3A_408 = tpu.memref_squeeze %dma_start3A_407 : memref<1x64xf32, #tpu.memory_space<vmem>> -> memref<64xf32, #tpu.memory_space<vmem>>
        %dma_start3A_409 = arith.constant 0 : i32
        %dma_start3A_410 = tpu.memref_slice %arg5[%squeeze3A_397, %dma_start3A_409] : memref<1000000x64xf32, #tpu.memory_space<hbm>> -> memref<1x64xf32, #tpu.memory_space<hbm>>
        %dma_start3A_411 = tpu.memref_squeeze %dma_start3A_410 : memref<1x64xf32, #tpu.memory_space<hbm>> -> memref<64xf32, #tpu.memory_space<hbm>>
        tpu.enqueue_dma source(%dma_start3A_411 : memref<64xf32, #tpu.memory_space<hbm>>) target(%dma_start3A_408 : memref<64xf32, #tpu.memory_space<vmem>>) target_semaphore(%arg17 : memref<!tpu.dma_semaphore, #tpu.memory_space<semaphore_mem>>)
        %slice3A_412 = vector.extract_strided_slice %get3A_25 {offsets = [12], sizes = [1], strides = [1]} : vector<16xi32> to vector<1xi32>
        %squeeze3A_413 = vector.extract %slice3A_412[0] : i32 from vector<1xi32>
        %add3A_414 = arith.constant 12 : i32
        %add3A_415 = arith.addi %mul3A_22, %add3A_414 : i32
        %dma_start3A_416 = arith.constant 0 : i32
        %dma_start3A_417 = tpu.memref_slice %arg11[%add3A_415, %dma_start3A_416] : memref<64x64xf32, #tpu.memory_space<vmem>> -> memref<1x64xf32, #tpu.memory_space<vmem>>
        %dma_start3A_418 = tpu.memref_squeeze %dma_start3A_417 : memref<1x64xf32, #tpu.memory_space<vmem>> -> memref<64xf32, #tpu.memory_space<vmem>>
        %dma_start3A_419 = arith.constant 0 : i32
        %dma_start3A_420 = tpu.memref_slice %arg4[%squeeze3A_413, %dma_start3A_419] : memref<100000x64xf32, #tpu.memory_space<hbm>> -> memref<1x64xf32, #tpu.memory_space<hbm>>
        %dma_start3A_421 = tpu.memref_squeeze %dma_start3A_420 : memref<1x64xf32, #tpu.memory_space<hbm>> -> memref<64xf32, #tpu.memory_space<hbm>>
        %dma_start3A_422 = arith.constant 0 : i32
        %dma_start3A_423 = tpu.memref_slice %arg11[%add3A_415, %dma_start3A_422] : memref<64x64xf32, #tpu.memory_space<vmem>> -> memref<1x64xf32, #tpu.memory_space<vmem>>
        %dma_start3A_424 = tpu.memref_squeeze %dma_start3A_423 : memref<1x64xf32, #tpu.memory_space<vmem>> -> memref<64xf32, #tpu.memory_space<vmem>>
        %dma_start3A_425 = arith.constant 0 : i32
        %dma_start3A_426 = tpu.memref_slice %arg4[%squeeze3A_413, %dma_start3A_425] : memref<100000x64xf32, #tpu.memory_space<hbm>> -> memref<1x64xf32, #tpu.memory_space<hbm>>
        %dma_start3A_427 = tpu.memref_squeeze %dma_start3A_426 : memref<1x64xf32, #tpu.memory_space<hbm>> -> memref<64xf32, #tpu.memory_space<hbm>>
        tpu.enqueue_dma source(%dma_start3A_427 : memref<64xf32, #tpu.memory_space<hbm>>) target(%dma_start3A_424 : memref<64xf32, #tpu.memory_space<vmem>>) target_semaphore(%arg16 : memref<!tpu.dma_semaphore, #tpu.memory_space<semaphore_mem>>)
        %slice3A_428 = vector.extract_strided_slice %get3A_29 {offsets = [12], sizes = [1], strides = [1]} : vector<16xi32> to vector<1xi32>
        %squeeze3A_429 = vector.extract %slice3A_428[0] : i32 from vector<1xi32>
        %add3A_430 = arith.constant 12 : i32
        %add3A_431 = arith.addi %mul3A_22, %add3A_430 : i32
        %dma_start3A_432 = arith.constant 0 : i32
        %dma_start3A_433 = tpu.memref_slice %arg12[%add3A_431, %dma_start3A_432] : memref<64x64xf32, #tpu.memory_space<vmem>> -> memref<1x64xf32, #tpu.memory_space<vmem>>
        %dma_start3A_434 = tpu.memref_squeeze %dma_start3A_433 : memref<1x64xf32, #tpu.memory_space<vmem>> -> memref<64xf32, #tpu.memory_space<vmem>>
        %dma_start3A_435 = arith.constant 0 : i32
        %dma_start3A_436 = tpu.memref_slice %arg5[%squeeze3A_429, %dma_start3A_435] : memref<1000000x64xf32, #tpu.memory_space<hbm>> -> memref<1x64xf32, #tpu.memory_space<hbm>>
        %dma_start3A_437 = tpu.memref_squeeze %dma_start3A_436 : memref<1x64xf32, #tpu.memory_space<hbm>> -> memref<64xf32, #tpu.memory_space<hbm>>
        %dma_start3A_438 = arith.constant 0 : i32
        %dma_start3A_439 = tpu.memref_slice %arg12[%add3A_431, %dma_start3A_438] : memref<64x64xf32, #tpu.memory_space<vmem>> -> memref<1x64xf32, #tpu.memory_space<vmem>>
        %dma_start3A_440 = tpu.memref_squeeze %dma_start3A_439 : memref<1x64xf32, #tpu.memory_space<vmem>> -> memref<64xf32, #tpu.memory_space<vmem>>
        %dma_start3A_441 = arith.constant 0 : i32
        %dma_start3A_442 = tpu.memref_slice %arg5[%squeeze3A_429, %dma_start3A_441] : memref<1000000x64xf32, #tpu.memory_space<hbm>> -> memref<1x64xf32, #tpu.memory_space<hbm>>
        %dma_start3A_443 = tpu.memref_squeeze %dma_start3A_442 : memref<1x64xf32, #tpu.memory_space<hbm>> -> memref<64xf32, #tpu.memory_space<hbm>>
        tpu.enqueue_dma source(%dma_start3A_443 : memref<64xf32, #tpu.memory_space<hbm>>) target(%dma_start3A_440 : memref<64xf32, #tpu.memory_space<vmem>>) target_semaphore(%arg17 : memref<!tpu.dma_semaphore, #tpu.memory_space<semaphore_mem>>)
        %slice3A_444 = vector.extract_strided_slice %get3A_25 {offsets = [13], sizes = [1], strides = [1]} : vector<16xi32> to vector<1xi32>
        %squeeze3A_445 = vector.extract %slice3A_444[0] : i32 from vector<1xi32>
        %add3A_446 = arith.constant 13 : i32
        %add3A_447 = arith.addi %mul3A_22, %add3A_446 : i32
        %dma_start3A_448 = arith.constant 0 : i32
        %dma_start3A_449 = tpu.memref_slice %arg11[%add3A_447, %dma_start3A_448] : memref<64x64xf32, #tpu.memory_space<vmem>> -> memref<1x64xf32, #tpu.memory_space<vmem>>
        %dma_start3A_450 = tpu.memref_squeeze %dma_start3A_449 : memref<1x64xf32, #tpu.memory_space<vmem>> -> memref<64xf32, #tpu.memory_space<vmem>>
        %dma_start3A_451 = arith.constant 0 : i32
        %dma_start3A_452 = tpu.memref_slice %arg4[%squeeze3A_445, %dma_start3A_451] : memref<100000x64xf32, #tpu.memory_space<hbm>> -> memref<1x64xf32, #tpu.memory_space<hbm>>
        %dma_start3A_453 = tpu.memref_squeeze %dma_start3A_452 : memref<1x64xf32, #tpu.memory_space<hbm>> -> memref<64xf32, #tpu.memory_space<hbm>>
        %dma_start3A_454 = arith.constant 0 : i32
        %dma_start3A_455 = tpu.memref_slice %arg11[%add3A_447, %dma_start3A_454] : memref<64x64xf32, #tpu.memory_space<vmem>> -> memref<1x64xf32, #tpu.memory_space<vmem>>
        %dma_start3A_456 = tpu.memref_squeeze %dma_start3A_455 : memref<1x64xf32, #tpu.memory_space<vmem>> -> memref<64xf32, #tpu.memory_space<vmem>>
        %dma_start3A_457 = arith.constant 0 : i32
        %dma_start3A_458 = tpu.memref_slice %arg4[%squeeze3A_445, %dma_start3A_457] : memref<100000x64xf32, #tpu.memory_space<hbm>> -> memref<1x64xf32, #tpu.memory_space<hbm>>
        %dma_start3A_459 = tpu.memref_squeeze %dma_start3A_458 : memref<1x64xf32, #tpu.memory_space<hbm>> -> memref<64xf32, #tpu.memory_space<hbm>>
        tpu.enqueue_dma source(%dma_start3A_459 : memref<64xf32, #tpu.memory_space<hbm>>) target(%dma_start3A_456 : memref<64xf32, #tpu.memory_space<vmem>>) target_semaphore(%arg16 : memref<!tpu.dma_semaphore, #tpu.memory_space<semaphore_mem>>)
        %slice3A_460 = vector.extract_strided_slice %get3A_29 {offsets = [13], sizes = [1], strides = [1]} : vector<16xi32> to vector<1xi32>
        %squeeze3A_461 = vector.extract %slice3A_460[0] : i32 from vector<1xi32>
        %add3A_462 = arith.constant 13 : i32
        %add3A_463 = arith.addi %mul3A_22, %add3A_462 : i32
        %dma_start3A_464 = arith.constant 0 : i32
        %dma_start3A_465 = tpu.memref_slice %arg12[%add3A_463, %dma_start3A_464] : memref<64x64xf32, #tpu.memory_space<vmem>> -> memref<1x64xf32, #tpu.memory_space<vmem>>
        %dma_start3A_466 = tpu.memref_squeeze %dma_start3A_465 : memref<1x64xf32, #tpu.memory_space<vmem>> -> memref<64xf32, #tpu.memory_space<vmem>>
        %dma_start3A_467 = arith.constant 0 : i32
        %dma_start3A_468 = tpu.memref_slice %arg5[%squeeze3A_461, %dma_start3A_467] : memref<1000000x64xf32, #tpu.memory_space<hbm>> -> memref<1x64xf32, #tpu.memory_space<hbm>>
        %dma_start3A_469 = tpu.memref_squeeze %dma_start3A_468 : memref<1x64xf32, #tpu.memory_space<hbm>> -> memref<64xf32, #tpu.memory_space<hbm>>
        %dma_start3A_470 = arith.constant 0 : i32
        %dma_start3A_471 = tpu.memref_slice %arg12[%add3A_463, %dma_start3A_470] : memref<64x64xf32, #tpu.memory_space<vmem>> -> memref<1x64xf32, #tpu.memory_space<vmem>>
        %dma_start3A_472 = tpu.memref_squeeze %dma_start3A_471 : memref<1x64xf32, #tpu.memory_space<vmem>> -> memref<64xf32, #tpu.memory_space<vmem>>
        %dma_start3A_473 = arith.constant 0 : i32
        %dma_start3A_474 = tpu.memref_slice %arg5[%squeeze3A_461, %dma_start3A_473] : memref<1000000x64xf32, #tpu.memory_space<hbm>> -> memref<1x64xf32, #tpu.memory_space<hbm>>
        %dma_start3A_475 = tpu.memref_squeeze %dma_start3A_474 : memref<1x64xf32, #tpu.memory_space<hbm>> -> memref<64xf32, #tpu.memory_space<hbm>>
        tpu.enqueue_dma source(%dma_start3A_475 : memref<64xf32, #tpu.memory_space<hbm>>) target(%dma_start3A_472 : memref<64xf32, #tpu.memory_space<vmem>>) target_semaphore(%arg17 : memref<!tpu.dma_semaphore, #tpu.memory_space<semaphore_mem>>)
        %slice3A_476 = vector.extract_strided_slice %get3A_25 {offsets = [14], sizes = [1], strides = [1]} : vector<16xi32> to vector<1xi32>
        %squeeze3A_477 = vector.extract %slice3A_476[0] : i32 from vector<1xi32>
        %add3A_478 = arith.constant 14 : i32
        %add3A_479 = arith.addi %mul3A_22, %add3A_478 : i32
        %dma_start3A_480 = arith.constant 0 : i32
        %dma_start3A_481 = tpu.memref_slice %arg11[%add3A_479, %dma_start3A_480] : memref<64x64xf32, #tpu.memory_space<vmem>> -> memref<1x64xf32, #tpu.memory_space<vmem>>
        %dma_start3A_482 = tpu.memref_squeeze %dma_start3A_481 : memref<1x64xf32, #tpu.memory_space<vmem>> -> memref<64xf32, #tpu.memory_space<vmem>>
        %dma_start3A_483 = arith.constant 0 : i32
        %dma_start3A_484 = tpu.memref_slice %arg4[%squeeze3A_477, %dma_start3A_483] : memref<100000x64xf32, #tpu.memory_space<hbm>> -> memref<1x64xf32, #tpu.memory_space<hbm>>
        %dma_start3A_485 = tpu.memref_squeeze %dma_start3A_484 : memref<1x64xf32, #tpu.memory_space<hbm>> -> memref<64xf32, #tpu.memory_space<hbm>>
        %dma_start3A_486 = arith.constant 0 : i32
        %dma_start3A_487 = tpu.memref_slice %arg11[%add3A_479, %dma_start3A_486] : memref<64x64xf32, #tpu.memory_space<vmem>> -> memref<1x64xf32, #tpu.memory_space<vmem>>
        %dma_start3A_488 = tpu.memref_squeeze %dma_start3A_487 : memref<1x64xf32, #tpu.memory_space<vmem>> -> memref<64xf32, #tpu.memory_space<vmem>>
        %dma_start3A_489 = arith.constant 0 : i32
        %dma_start3A_490 = tpu.memref_slice %arg4[%squeeze3A_477, %dma_start3A_489] : memref<100000x64xf32, #tpu.memory_space<hbm>> -> memref<1x64xf32, #tpu.memory_space<hbm>>
        %dma_start3A_491 = tpu.memref_squeeze %dma_start3A_490 : memref<1x64xf32, #tpu.memory_space<hbm>> -> memref<64xf32, #tpu.memory_space<hbm>>
        tpu.enqueue_dma source(%dma_start3A_491 : memref<64xf32, #tpu.memory_space<hbm>>) target(%dma_start3A_488 : memref<64xf32, #tpu.memory_space<vmem>>) target_semaphore(%arg16 : memref<!tpu.dma_semaphore, #tpu.memory_space<semaphore_mem>>)
        %slice3A_492 = vector.extract_strided_slice %get3A_29 {offsets = [14], sizes = [1], strides = [1]} : vector<16xi32> to vector<1xi32>
        %squeeze3A_493 = vector.extract %slice3A_492[0] : i32 from vector<1xi32>
        %add3A_494 = arith.constant 14 : i32
        %add3A_495 = arith.addi %mul3A_22, %add3A_494 : i32
        %dma_start3A_496 = arith.constant 0 : i32
        %dma_start3A_497 = tpu.memref_slice %arg12[%add3A_495, %dma_start3A_496] : memref<64x64xf32, #tpu.memory_space<vmem>> -> memref<1x64xf32, #tpu.memory_space<vmem>>
        %dma_start3A_498 = tpu.memref_squeeze %dma_start3A_497 : memref<1x64xf32, #tpu.memory_space<vmem>> -> memref<64xf32, #tpu.memory_space<vmem>>
        %dma_start3A_499 = arith.constant 0 : i32
        %dma_start3A_500 = tpu.memref_slice %arg5[%squeeze3A_493, %dma_start3A_499] : memref<1000000x64xf32, #tpu.memory_space<hbm>> -> memref<1x64xf32, #tpu.memory_space<hbm>>
        %dma_start3A_501 = tpu.memref_squeeze %dma_start3A_500 : memref<1x64xf32, #tpu.memory_space<hbm>> -> memref<64xf32, #tpu.memory_space<hbm>>
        %dma_start3A_502 = arith.constant 0 : i32
        %dma_start3A_503 = tpu.memref_slice %arg12[%add3A_495, %dma_start3A_502] : memref<64x64xf32, #tpu.memory_space<vmem>> -> memref<1x64xf32, #tpu.memory_space<vmem>>
        %dma_start3A_504 = tpu.memref_squeeze %dma_start3A_503 : memref<1x64xf32, #tpu.memory_space<vmem>> -> memref<64xf32, #tpu.memory_space<vmem>>
        %dma_start3A_505 = arith.constant 0 : i32
        %dma_start3A_506 = tpu.memref_slice %arg5[%squeeze3A_493, %dma_start3A_505] : memref<1000000x64xf32, #tpu.memory_space<hbm>> -> memref<1x64xf32, #tpu.memory_space<hbm>>
        %dma_start3A_507 = tpu.memref_squeeze %dma_start3A_506 : memref<1x64xf32, #tpu.memory_space<hbm>> -> memref<64xf32, #tpu.memory_space<hbm>>
        tpu.enqueue_dma source(%dma_start3A_507 : memref<64xf32, #tpu.memory_space<hbm>>) target(%dma_start3A_504 : memref<64xf32, #tpu.memory_space<vmem>>) target_semaphore(%arg17 : memref<!tpu.dma_semaphore, #tpu.memory_space<semaphore_mem>>)
        %slice3A_508 = vector.extract_strided_slice %get3A_25 {offsets = [15], sizes = [1], strides = [1]} : vector<16xi32> to vector<1xi32>
        %squeeze3A_509 = vector.extract %slice3A_508[0] : i32 from vector<1xi32>
        %add3A_510 = arith.constant 15 : i32
        %add3A_511 = arith.addi %mul3A_22, %add3A_510 : i32
        %dma_start3A_512 = arith.constant 0 : i32
        %dma_start3A_513 = tpu.memref_slice %arg11[%add3A_511, %dma_start3A_512] : memref<64x64xf32, #tpu.memory_space<vmem>> -> memref<1x64xf32, #tpu.memory_space<vmem>>
        %dma_start3A_514 = tpu.memref_squeeze %dma_start3A_513 : memref<1x64xf32, #tpu.memory_space<vmem>> -> memref<64xf32, #tpu.memory_space<vmem>>
        %dma_start3A_515 = arith.constant 0 : i32
        %dma_start3A_516 = tpu.memref_slice %arg4[%squeeze3A_509, %dma_start3A_515] : memref<100000x64xf32, #tpu.memory_space<hbm>> -> memref<1x64xf32, #tpu.memory_space<hbm>>
        %dma_start3A_517 = tpu.memref_squeeze %dma_start3A_516 : memref<1x64xf32, #tpu.memory_space<hbm>> -> memref<64xf32, #tpu.memory_space<hbm>>
        %dma_start3A_518 = arith.constant 0 : i32
        %dma_start3A_519 = tpu.memref_slice %arg11[%add3A_511, %dma_start3A_518] : memref<64x64xf32, #tpu.memory_space<vmem>> -> memref<1x64xf32, #tpu.memory_space<vmem>>
        %dma_start3A_520 = tpu.memref_squeeze %dma_start3A_519 : memref<1x64xf32, #tpu.memory_space<vmem>> -> memref<64xf32, #tpu.memory_space<vmem>>
        %dma_start3A_521 = arith.constant 0 : i32
        %dma_start3A_522 = tpu.memref_slice %arg4[%squeeze3A_509, %dma_start3A_521] : memref<100000x64xf32, #tpu.memory_space<hbm>> -> memref<1x64xf32, #tpu.memory_space<hbm>>
        %dma_start3A_523 = tpu.memref_squeeze %dma_start3A_522 : memref<1x64xf32, #tpu.memory_space<hbm>> -> memref<64xf32, #tpu.memory_space<hbm>>
        tpu.enqueue_dma source(%dma_start3A_523 : memref<64xf32, #tpu.memory_space<hbm>>) target(%dma_start3A_520 : memref<64xf32, #tpu.memory_space<vmem>>) target_semaphore(%arg16 : memref<!tpu.dma_semaphore, #tpu.memory_space<semaphore_mem>>)
        %slice3A_524 = vector.extract_strided_slice %get3A_29 {offsets = [15], sizes = [1], strides = [1]} : vector<16xi32> to vector<1xi32>
        %squeeze3A_525 = vector.extract %slice3A_524[0] : i32 from vector<1xi32>
        %add3A_526 = arith.constant 15 : i32
        %add3A_527 = arith.addi %mul3A_22, %add3A_526 : i32
        %dma_start3A_528 = arith.constant 0 : i32
        %dma_start3A_529 = tpu.memref_slice %arg12[%add3A_527, %dma_start3A_528] : memref<64x64xf32, #tpu.memory_space<vmem>> -> memref<1x64xf32, #tpu.memory_space<vmem>>
        %dma_start3A_530 = tpu.memref_squeeze %dma_start3A_529 : memref<1x64xf32, #tpu.memory_space<vmem>> -> memref<64xf32, #tpu.memory_space<vmem>>
        %dma_start3A_531 = arith.constant 0 : i32
        %dma_start3A_532 = tpu.memref_slice %arg5[%squeeze3A_525, %dma_start3A_531] : memref<1000000x64xf32, #tpu.memory_space<hbm>> -> memref<1x64xf32, #tpu.memory_space<hbm>>
        %dma_start3A_533 = tpu.memref_squeeze %dma_start3A_532 : memref<1x64xf32, #tpu.memory_space<hbm>> -> memref<64xf32, #tpu.memory_space<hbm>>
        %dma_start3A_534 = arith.constant 0 : i32
        %dma_start3A_535 = tpu.memref_slice %arg12[%add3A_527, %dma_start3A_534] : memref<64x64xf32, #tpu.memory_space<vmem>> -> memref<1x64xf32, #tpu.memory_space<vmem>>
        %dma_start3A_536 = tpu.memref_squeeze %dma_start3A_535 : memref<1x64xf32, #tpu.memory_space<vmem>> -> memref<64xf32, #tpu.memory_space<vmem>>
        %dma_start3A_537 = arith.constant 0 : i32
        %dma_start3A_538 = tpu.memref_slice %arg5[%squeeze3A_525, %dma_start3A_537] : memref<1000000x64xf32, #tpu.memory_space<hbm>> -> memref<1x64xf32, #tpu.memory_space<hbm>>
        %dma_start3A_539 = tpu.memref_squeeze %dma_start3A_538 : memref<1x64xf32, #tpu.memory_space<hbm>> -> memref<64xf32, #tpu.memory_space<hbm>>
        tpu.enqueue_dma source(%dma_start3A_539 : memref<64xf32, #tpu.memory_space<hbm>>) target(%dma_start3A_536 : memref<64xf32, #tpu.memory_space<vmem>>) target_semaphore(%arg17 : memref<!tpu.dma_semaphore, #tpu.memory_space<semaphore_mem>>)
      } else {
      }
      %ge3A = arith.constant 3 : i32
      %ge3A_16 = arith.cmpi sge, %scan3A_13, %ge3A : i32
      %convert_element_type3A_17 = arith.extui %ge3A_16 : i1 to i32
      %cond3A_18 = arith.constant 0 : i32
      %cond3A_19 = arith.cmpi ne, %convert_element_type3A_17, %cond3A_18 : i32
      scf.if %cond3A_19 {
        %dma_wait3A_20 = arith.constant 0 : i32
        %dma_wait3A_21 = arith.constant 0 : i32
        %dma_wait3A_22 = tpu.memref_slice %arg11[%dma_wait3A_20, %dma_wait3A_21] : memref<64x64xf32, #tpu.memory_space<vmem>> -> memref<16x64xf32, #tpu.memory_space<vmem>>
        %dma_wait3A_23 = arith.constant 0 : i32
        %dma_wait3A_24 = arith.constant 0 : i32
        %dma_wait3A_25 = tpu.memref_slice %arg4[%dma_wait3A_23, %dma_wait3A_24] : memref<100000x64xf32, #tpu.memory_space<hbm>> -> memref<16x64xf32, #tpu.memory_space<hbm>>
        %dma_wait3A_26 = arith.constant 0 : i32
        %dma_wait3A_27 = arith.constant 0 : i32
        %dma_wait3A_28 = tpu.memref_slice %arg11[%dma_wait3A_26, %dma_wait3A_27] : memref<64x64xf32, #tpu.memory_space<vmem>> -> memref<16x64xf32, #tpu.memory_space<vmem>>
        %dma_wait3A_29 = arith.constant 0 : i32
        %dma_wait3A_30 = arith.constant 0 : i32
        %dma_wait3A_31 = tpu.memref_slice %arg4[%dma_wait3A_29, %dma_wait3A_30] : memref<100000x64xf32, #tpu.memory_space<hbm>> -> memref<16x64xf32, #tpu.memory_space<hbm>>
        tpu.wait_dma2 semaphore(%arg16 : memref<!tpu.dma_semaphore, #tpu.memory_space<semaphore_mem>>) src(%dma_wait3A_31 : memref<16x64xf32, #tpu.memory_space<hbm>>) dst(%dma_wait3A_28 : memref<16x64xf32, #tpu.memory_space<vmem>>)
        %dma_wait3A_32 = arith.constant 0 : i32
        %dma_wait3A_33 = arith.constant 0 : i32
        %dma_wait3A_34 = tpu.memref_slice %arg12[%dma_wait3A_32, %dma_wait3A_33] : memref<64x64xf32, #tpu.memory_space<vmem>> -> memref<16x64xf32, #tpu.memory_space<vmem>>
        %dma_wait3A_35 = arith.constant 0 : i32
        %dma_wait3A_36 = arith.constant 0 : i32
        %dma_wait3A_37 = tpu.memref_slice %arg5[%dma_wait3A_35, %dma_wait3A_36] : memref<1000000x64xf32, #tpu.memory_space<hbm>> -> memref<16x64xf32, #tpu.memory_space<hbm>>
        %dma_wait3A_38 = arith.constant 0 : i32
        %dma_wait3A_39 = arith.constant 0 : i32
        %dma_wait3A_40 = tpu.memref_slice %arg12[%dma_wait3A_38, %dma_wait3A_39] : memref<64x64xf32, #tpu.memory_space<vmem>> -> memref<16x64xf32, #tpu.memory_space<vmem>>
        %dma_wait3A_41 = arith.constant 0 : i32
        %dma_wait3A_42 = arith.constant 0 : i32
        %dma_wait3A_43 = tpu.memref_slice %arg5[%dma_wait3A_41, %dma_wait3A_42] : memref<1000000x64xf32, #tpu.memory_space<hbm>> -> memref<16x64xf32, #tpu.memory_space<hbm>>
        tpu.wait_dma2 semaphore(%arg17 : memref<!tpu.dma_semaphore, #tpu.memory_space<semaphore_mem>>) src(%dma_wait3A_43 : memref<16x64xf32, #tpu.memory_space<hbm>>) dst(%dma_wait3A_40 : memref<16x64xf32, #tpu.memory_space<vmem>>)
        %sub3A = arith.constant 3 : i32
        %sub3A_44 = arith.subi %scan3A_13, %sub3A : i32
        %rem3A = arith.constant 4 : i32
        %rem3A_45 = arith.remsi %sub3A_44, %rem3A : i32
        %mul3A_46 = arith.constant 16 : i32
        %mul3A_47 = arith.muli %rem3A_45, %mul3A_46 : i32
        %add3A_48 = vector.broadcast %mul3A_47 : i32 to vector<16xi32>
        %add3A_49 = arith.addi %add3A_48, %iota3A : vector<16xi32>
        %mul3A_50 = arith.constant 16 : i32
        %mul3A_51 = arith.muli %sub3A_44, %mul3A_50 : i32
        %get3A = arith.index_cast %mul3A_51 : i32 to index
        %get3A_52 = tpu.vector_load %arg13[%get3A] {strides = array<i32>} : memref<512xf32, #tpu.memory_space<vmem>>, vector<16xf32>,
        %mul3A_53 = arith.constant 16 : i32
        %mul3A_54 = arith.muli %sub3A_44, %mul3A_53 : i32
        %get3A_55 = arith.index_cast %mul3A_54 : i32 to index
        %get3A_56 = tpu.vector_load %arg14[%get3A_55] {strides = array<i32>} : memref<512xf32, #tpu.memory_space<vmem>>, vector<16xf32>,
        %add3A_57 = arith.addf %get3A_52, %get3A_56 : vector<16xf32>
        %broadcast_in_dim3A = arith.constant 0 : i32
        %broadcast_in_dim3A_58 = vector.broadcast %broadcast_in_dim3A : i32 to vector<16xi32>
        %gather3A = tpu.vector_load_idx %arg11[%add3A_49, %broadcast_in_dim3A_58] : memref<64x64xf32, #tpu.memory_space<vmem>>[vector<16xi32>, vector<16xi32>], vector<16xf32>,
        %gather3A_59 = tpu.vector_load_idx %arg12[%add3A_49, %broadcast_in_dim3A_58] : memref<64x64xf32, #tpu.memory_space<vmem>>[vector<16xi32>, vector<16xi32>], vector<16xf32>,
        %mul3A_60 = arith.mulf %gather3A, %gather3A_59 : vector<16xf32>
        %add3A_61 = arith.addf %add3A_57, %mul3A_60 : vector<16xf32>
        %broadcast_in_dim3A_62 = arith.constant 1 : i32
        %broadcast_in_dim3A_63 = vector.broadcast %broadcast_in_dim3A_62 : i32 to vector<16xi32>
        %gather3A_64 = tpu.vector_load_idx %arg11[%add3A_49, %broadcast_in_dim3A_63] : memref<64x64xf32, #tpu.memory_space<vmem>>[vector<16xi32>, vector<16xi32>], vector<16xf32>,
        %gather3A_65 = tpu.vector_load_idx %arg12[%add3A_49, %broadcast_in_dim3A_63] : memref<64x64xf32, #tpu.memory_space<vmem>>[vector<16xi32>, vector<16xi32>], vector<16xf32>,
        %mul3A_66 = arith.mulf %gather3A_64, %gather3A_65 : vector<16xf32>
        %add3A_67 = arith.addf %add3A_61, %mul3A_66 : vector<16xf32>
        %broadcast_in_dim3A_68 = arith.constant 2 : i32
        %broadcast_in_dim3A_69 = vector.broadcast %broadcast_in_dim3A_68 : i32 to vector<16xi32>
        %gather3A_70 = tpu.vector_load_idx %arg11[%add3A_49, %broadcast_in_dim3A_69] : memref<64x64xf32, #tpu.memory_space<vmem>>[vector<16xi32>, vector<16xi32>], vector<16xf32>,
        %gather3A_71 = tpu.vector_load_idx %arg12[%add3A_49, %broadcast_in_dim3A_69] : memref<64x64xf32, #tpu.memory_space<vmem>>[vector<16xi32>, vector<16xi32>], vector<16xf32>,
        %mul3A_72 = arith.mulf %gather3A_70, %gather3A_71 : vector<16xf32>
        %add3A_73 = arith.addf %add3A_67, %mul3A_72 : vector<16xf32>
        %broadcast_in_dim3A_74 = arith.constant 3 : i32
        %broadcast_in_dim3A_75 = vector.broadcast %broadcast_in_dim3A_74 : i32 to vector<16xi32>
        %gather3A_76 = tpu.vector_load_idx %arg11[%add3A_49, %broadcast_in_dim3A_75] : memref<64x64xf32, #tpu.memory_space<vmem>>[vector<16xi32>, vector<16xi32>], vector<16xf32>,
        %gather3A_77 = tpu.vector_load_idx %arg12[%add3A_49, %broadcast_in_dim3A_75] : memref<64x64xf32, #tpu.memory_space<vmem>>[vector<16xi32>, vector<16xi32>], vector<16xf32>,
        %mul3A_78 = arith.mulf %gather3A_76, %gather3A_77 : vector<16xf32>
        %add3A_79 = arith.addf %add3A_73, %mul3A_78 : vector<16xf32>
        %broadcast_in_dim3A_80 = arith.constant 4 : i32
        %broadcast_in_dim3A_81 = vector.broadcast %broadcast_in_dim3A_80 : i32 to vector<16xi32>
        %gather3A_82 = tpu.vector_load_idx %arg11[%add3A_49, %broadcast_in_dim3A_81] : memref<64x64xf32, #tpu.memory_space<vmem>>[vector<16xi32>, vector<16xi32>], vector<16xf32>,
        %gather3A_83 = tpu.vector_load_idx %arg12[%add3A_49, %broadcast_in_dim3A_81] : memref<64x64xf32, #tpu.memory_space<vmem>>[vector<16xi32>, vector<16xi32>], vector<16xf32>,
        %mul3A_84 = arith.mulf %gather3A_82, %gather3A_83 : vector<16xf32>
        %add3A_85 = arith.addf %add3A_79, %mul3A_84 : vector<16xf32>
        %broadcast_in_dim3A_86 = arith.constant 5 : i32
        %broadcast_in_dim3A_87 = vector.broadcast %broadcast_in_dim3A_86 : i32 to vector<16xi32>
        %gather3A_88 = tpu.vector_load_idx %arg11[%add3A_49, %broadcast_in_dim3A_87] : memref<64x64xf32, #tpu.memory_space<vmem>>[vector<16xi32>, vector<16xi32>], vector<16xf32>,
        %gather3A_89 = tpu.vector_load_idx %arg12[%add3A_49, %broadcast_in_dim3A_87] : memref<64x64xf32, #tpu.memory_space<vmem>>[vector<16xi32>, vector<16xi32>], vector<16xf32>,
        %mul3A_90 = arith.mulf %gather3A_88, %gather3A_89 : vector<16xf32>
        %add3A_91 = arith.addf %add3A_85, %mul3A_90 : vector<16xf32>
        %broadcast_in_dim3A_92 = arith.constant 6 : i32
        %broadcast_in_dim3A_93 = vector.broadcast %broadcast_in_dim3A_92 : i32 to vector<16xi32>
        %gather3A_94 = tpu.vector_load_idx %arg11[%add3A_49, %broadcast_in_dim3A_93] : memref<64x64xf32, #tpu.memory_space<vmem>>[vector<16xi32>, vector<16xi32>], vector<16xf32>,
        %gather3A_95 = tpu.vector_load_idx %arg12[%add3A_49, %broadcast_in_dim3A_93] : memref<64x64xf32, #tpu.memory_space<vmem>>[vector<16xi32>, vector<16xi32>], vector<16xf32>,
        %mul3A_96 = arith.mulf %gather3A_94, %gather3A_95 : vector<16xf32>
        %add3A_97 = arith.addf %add3A_91, %mul3A_96 : vector<16xf32>
        %broadcast_in_dim3A_98 = arith.constant 7 : i32
        %broadcast_in_dim3A_99 = vector.broadcast %broadcast_in_dim3A_98 : i32 to vector<16xi32>
        %gather3A_100 = tpu.vector_load_idx %arg11[%add3A_49, %broadcast_in_dim3A_99] : memref<64x64xf32, #tpu.memory_space<vmem>>[vector<16xi32>, vector<16xi32>], vector<16xf32>,
        %gather3A_101 = tpu.vector_load_idx %arg12[%add3A_49, %broadcast_in_dim3A_99] : memref<64x64xf32, #tpu.memory_space<vmem>>[vector<16xi32>, vector<16xi32>], vector<16xf32>,
        %mul3A_102 = arith.mulf %gather3A_100, %gather3A_101 : vector<16xf32>
        %add3A_103 = arith.addf %add3A_97, %mul3A_102 : vector<16xf32>
        %broadcast_in_dim3A_104 = arith.constant 8 : i32
        %broadcast_in_dim3A_105 = vector.broadcast %broadcast_in_dim3A_104 : i32 to vector<16xi32>
        %gather3A_106 = tpu.vector_load_idx %arg11[%add3A_49, %broadcast_in_dim3A_105] : memref<64x64xf32, #tpu.memory_space<vmem>>[vector<16xi32>, vector<16xi32>], vector<16xf32>,
        %gather3A_107 = tpu.vector_load_idx %arg12[%add3A_49, %broadcast_in_dim3A_105] : memref<64x64xf32, #tpu.memory_space<vmem>>[vector<16xi32>, vector<16xi32>], vector<16xf32>,
        %mul3A_108 = arith.mulf %gather3A_106, %gather3A_107 : vector<16xf32>
        %add3A_109 = arith.addf %add3A_103, %mul3A_108 : vector<16xf32>
        %broadcast_in_dim3A_110 = arith.constant 9 : i32
        %broadcast_in_dim3A_111 = vector.broadcast %broadcast_in_dim3A_110 : i32 to vector<16xi32>
        %gather3A_112 = tpu.vector_load_idx %arg11[%add3A_49, %broadcast_in_dim3A_111] : memref<64x64xf32, #tpu.memory_space<vmem>>[vector<16xi32>, vector<16xi32>], vector<16xf32>,
        %gather3A_113 = tpu.vector_load_idx %arg12[%add3A_49, %broadcast_in_dim3A_111] : memref<64x64xf32, #tpu.memory_space<vmem>>[vector<16xi32>, vector<16xi32>], vector<16xf32>,
        %mul3A_114 = arith.mulf %gather3A_112, %gather3A_113 : vector<16xf32>
        %add3A_115 = arith.addf %add3A_109, %mul3A_114 : vector<16xf32>
        %broadcast_in_dim3A_116 = arith.constant 10 : i32
        %broadcast_in_dim3A_117 = vector.broadcast %broadcast_in_dim3A_116 : i32 to vector<16xi32>
        %gather3A_118 = tpu.vector_load_idx %arg11[%add3A_49, %broadcast_in_dim3A_117] : memref<64x64xf32, #tpu.memory_space<vmem>>[vector<16xi32>, vector<16xi32>], vector<16xf32>,
        %gather3A_119 = tpu.vector_load_idx %arg12[%add3A_49, %broadcast_in_dim3A_117] : memref<64x64xf32, #tpu.memory_space<vmem>>[vector<16xi32>, vector<16xi32>], vector<16xf32>,
        %mul3A_120 = arith.mulf %gather3A_118, %gather3A_119 : vector<16xf32>
        %add3A_121 = arith.addf %add3A_115, %mul3A_120 : vector<16xf32>
        %broadcast_in_dim3A_122 = arith.constant 11 : i32
        %broadcast_in_dim3A_123 = vector.broadcast %broadcast_in_dim3A_122 : i32 to vector<16xi32>
        %gather3A_124 = tpu.vector_load_idx %arg11[%add3A_49, %broadcast_in_dim3A_123] : memref<64x64xf32, #tpu.memory_space<vmem>>[vector<16xi32>, vector<16xi32>], vector<16xf32>,
        %gather3A_125 = tpu.vector_load_idx %arg12[%add3A_49, %broadcast_in_dim3A_123] : memref<64x64xf32, #tpu.memory_space<vmem>>[vector<16xi32>, vector<16xi32>], vector<16xf32>,
        %mul3A_126 = arith.mulf %gather3A_124, %gather3A_125 : vector<16xf32>
        %add3A_127 = arith.addf %add3A_121, %mul3A_126 : vector<16xf32>
        %broadcast_in_dim3A_128 = arith.constant 12 : i32
        %broadcast_in_dim3A_129 = vector.broadcast %broadcast_in_dim3A_128 : i32 to vector<16xi32>
        %gather3A_130 = tpu.vector_load_idx %arg11[%add3A_49, %broadcast_in_dim3A_129] : memref<64x64xf32, #tpu.memory_space<vmem>>[vector<16xi32>, vector<16xi32>], vector<16xf32>,
        %gather3A_131 = tpu.vector_load_idx %arg12[%add3A_49, %broadcast_in_dim3A_129] : memref<64x64xf32, #tpu.memory_space<vmem>>[vector<16xi32>, vector<16xi32>], vector<16xf32>,
        %mul3A_132 = arith.mulf %gather3A_130, %gather3A_131 : vector<16xf32>
        %add3A_133 = arith.addf %add3A_127, %mul3A_132 : vector<16xf32>
        %broadcast_in_dim3A_134 = arith.constant 13 : i32
        %broadcast_in_dim3A_135 = vector.broadcast %broadcast_in_dim3A_134 : i32 to vector<16xi32>
        %gather3A_136 = tpu.vector_load_idx %arg11[%add3A_49, %broadcast_in_dim3A_135] : memref<64x64xf32, #tpu.memory_space<vmem>>[vector<16xi32>, vector<16xi32>], vector<16xf32>,
        %gather3A_137 = tpu.vector_load_idx %arg12[%add3A_49, %broadcast_in_dim3A_135] : memref<64x64xf32, #tpu.memory_space<vmem>>[vector<16xi32>, vector<16xi32>], vector<16xf32>,
        %mul3A_138 = arith.mulf %gather3A_136, %gather3A_137 : vector<16xf32>
        %add3A_139 = arith.addf %add3A_133, %mul3A_138 : vector<16xf32>
        %broadcast_in_dim3A_140 = arith.constant 14 : i32
        %broadcast_in_dim3A_141 = vector.broadcast %broadcast_in_dim3A_140 : i32 to vector<16xi32>
        %gather3A_142 = tpu.vector_load_idx %arg11[%add3A_49, %broadcast_in_dim3A_141] : memref<64x64xf32, #tpu.memory_space<vmem>>[vector<16xi32>, vector<16xi32>], vector<16xf32>,
        %gather3A_143 = tpu.vector_load_idx %arg12[%add3A_49, %broadcast_in_dim3A_141] : memref<64x64xf32, #tpu.memory_space<vmem>>[vector<16xi32>, vector<16xi32>], vector<16xf32>,
        %mul3A_144 = arith.mulf %gather3A_142, %gather3A_143 : vector<16xf32>
        %add3A_145 = arith.addf %add3A_139, %mul3A_144 : vector<16xf32>
        %broadcast_in_dim3A_146 = arith.constant 15 : i32
        %broadcast_in_dim3A_147 = vector.broadcast %broadcast_in_dim3A_146 : i32 to vector<16xi32>
        %gather3A_148 = tpu.vector_load_idx %arg11[%add3A_49, %broadcast_in_dim3A_147] : memref<64x64xf32, #tpu.memory_space<vmem>>[vector<16xi32>, vector<16xi32>], vector<16xf32>,
        %gather3A_149 = tpu.vector_load_idx %arg12[%add3A_49, %broadcast_in_dim3A_147] : memref<64x64xf32, #tpu.memory_space<vmem>>[vector<16xi32>, vector<16xi32>], vector<16xf32>,
        %mul3A_150 = arith.mulf %gather3A_148, %gather3A_149 : vector<16xf32>
        %add3A_151 = arith.addf %add3A_145, %mul3A_150 : vector<16xf32>
        %broadcast_in_dim3A_152 = arith.constant 16 : i32
        %broadcast_in_dim3A_153 = vector.broadcast %broadcast_in_dim3A_152 : i32 to vector<16xi32>
        %gather3A_154 = tpu.vector_load_idx %arg11[%add3A_49, %broadcast_in_dim3A_153] : memref<64x64xf32, #tpu.memory_space<vmem>>[vector<16xi32>, vector<16xi32>], vector<16xf32>,
        %gather3A_155 = tpu.vector_load_idx %arg12[%add3A_49, %broadcast_in_dim3A_153] : memref<64x64xf32, #tpu.memory_space<vmem>>[vector<16xi32>, vector<16xi32>], vector<16xf32>,
        %mul3A_156 = arith.mulf %gather3A_154, %gather3A_155 : vector<16xf32>
        %add3A_157 = arith.addf %add3A_151, %mul3A_156 : vector<16xf32>
        %broadcast_in_dim3A_158 = arith.constant 17 : i32
        %broadcast_in_dim3A_159 = vector.broadcast %broadcast_in_dim3A_158 : i32 to vector<16xi32>
        %gather3A_160 = tpu.vector_load_idx %arg11[%add3A_49, %broadcast_in_dim3A_159] : memref<64x64xf32, #tpu.memory_space<vmem>>[vector<16xi32>, vector<16xi32>], vector<16xf32>,
        %gather3A_161 = tpu.vector_load_idx %arg12[%add3A_49, %broadcast_in_dim3A_159] : memref<64x64xf32, #tpu.memory_space<vmem>>[vector<16xi32>, vector<16xi32>], vector<16xf32>,
        %mul3A_162 = arith.mulf %gather3A_160, %gather3A_161 : vector<16xf32>
        %add3A_163 = arith.addf %add3A_157, %mul3A_162 : vector<16xf32>
        %broadcast_in_dim3A_164 = arith.constant 18 : i32
        %broadcast_in_dim3A_165 = vector.broadcast %broadcast_in_dim3A_164 : i32 to vector<16xi32>
        %gather3A_166 = tpu.vector_load_idx %arg11[%add3A_49, %broadcast_in_dim3A_165] : memref<64x64xf32, #tpu.memory_space<vmem>>[vector<16xi32>, vector<16xi32>], vector<16xf32>,
        %gather3A_167 = tpu.vector_load_idx %arg12[%add3A_49, %broadcast_in_dim3A_165] : memref<64x64xf32, #tpu.memory_space<vmem>>[vector<16xi32>, vector<16xi32>], vector<16xf32>,
        %mul3A_168 = arith.mulf %gather3A_166, %gather3A_167 : vector<16xf32>
        %add3A_169 = arith.addf %add3A_163, %mul3A_168 : vector<16xf32>
        %broadcast_in_dim3A_170 = arith.constant 19 : i32
        %broadcast_in_dim3A_171 = vector.broadcast %broadcast_in_dim3A_170 : i32 to vector<16xi32>
        %gather3A_172 = tpu.vector_load_idx %arg11[%add3A_49, %broadcast_in_dim3A_171] : memref<64x64xf32, #tpu.memory_space<vmem>>[vector<16xi32>, vector<16xi32>], vector<16xf32>,
        %gather3A_173 = tpu.vector_load_idx %arg12[%add3A_49, %broadcast_in_dim3A_171] : memref<64x64xf32, #tpu.memory_space<vmem>>[vector<16xi32>, vector<16xi32>], vector<16xf32>,
        %mul3A_174 = arith.mulf %gather3A_172, %gather3A_173 : vector<16xf32>
        %add3A_175 = arith.addf %add3A_169, %mul3A_174 : vector<16xf32>
        %broadcast_in_dim3A_176 = arith.constant 20 : i32
        %broadcast_in_dim3A_177 = vector.broadcast %broadcast_in_dim3A_176 : i32 to vector<16xi32>
        %gather3A_178 = tpu.vector_load_idx %arg11[%add3A_49, %broadcast_in_dim3A_177] : memref<64x64xf32, #tpu.memory_space<vmem>>[vector<16xi32>, vector<16xi32>], vector<16xf32>,
        %gather3A_179 = tpu.vector_load_idx %arg12[%add3A_49, %broadcast_in_dim3A_177] : memref<64x64xf32, #tpu.memory_space<vmem>>[vector<16xi32>, vector<16xi32>], vector<16xf32>,
        %mul3A_180 = arith.mulf %gather3A_178, %gather3A_179 : vector<16xf32>
        %add3A_181 = arith.addf %add3A_175, %mul3A_180 : vector<16xf32>
        %broadcast_in_dim3A_182 = arith.constant 21 : i32
        %broadcast_in_dim3A_183 = vector.broadcast %broadcast_in_dim3A_182 : i32 to vector<16xi32>
        %gather3A_184 = tpu.vector_load_idx %arg11[%add3A_49, %broadcast_in_dim3A_183] : memref<64x64xf32, #tpu.memory_space<vmem>>[vector<16xi32>, vector<16xi32>], vector<16xf32>,
        %gather3A_185 = tpu.vector_load_idx %arg12[%add3A_49, %broadcast_in_dim3A_183] : memref<64x64xf32, #tpu.memory_space<vmem>>[vector<16xi32>, vector<16xi32>], vector<16xf32>,
        %mul3A_186 = arith.mulf %gather3A_184, %gather3A_185 : vector<16xf32>
        %add3A_187 = arith.addf %add3A_181, %mul3A_186 : vector<16xf32>
        %broadcast_in_dim3A_188 = arith.constant 22 : i32
        %broadcast_in_dim3A_189 = vector.broadcast %broadcast_in_dim3A_188 : i32 to vector<16xi32>
        %gather3A_190 = tpu.vector_load_idx %arg11[%add3A_49, %broadcast_in_dim3A_189] : memref<64x64xf32, #tpu.memory_space<vmem>>[vector<16xi32>, vector<16xi32>], vector<16xf32>,
        %gather3A_191 = tpu.vector_load_idx %arg12[%add3A_49, %broadcast_in_dim3A_189] : memref<64x64xf32, #tpu.memory_space<vmem>>[vector<16xi32>, vector<16xi32>], vector<16xf32>,
        %mul3A_192 = arith.mulf %gather3A_190, %gather3A_191 : vector<16xf32>
        %add3A_193 = arith.addf %add3A_187, %mul3A_192 : vector<16xf32>
        %broadcast_in_dim3A_194 = arith.constant 23 : i32
        %broadcast_in_dim3A_195 = vector.broadcast %broadcast_in_dim3A_194 : i32 to vector<16xi32>
        %gather3A_196 = tpu.vector_load_idx %arg11[%add3A_49, %broadcast_in_dim3A_195] : memref<64x64xf32, #tpu.memory_space<vmem>>[vector<16xi32>, vector<16xi32>], vector<16xf32>,
        %gather3A_197 = tpu.vector_load_idx %arg12[%add3A_49, %broadcast_in_dim3A_195] : memref<64x64xf32, #tpu.memory_space<vmem>>[vector<16xi32>, vector<16xi32>], vector<16xf32>,
        %mul3A_198 = arith.mulf %gather3A_196, %gather3A_197 : vector<16xf32>
        %add3A_199 = arith.addf %add3A_193, %mul3A_198 : vector<16xf32>
        %broadcast_in_dim3A_200 = arith.constant 24 : i32
        %broadcast_in_dim3A_201 = vector.broadcast %broadcast_in_dim3A_200 : i32 to vector<16xi32>
        %gather3A_202 = tpu.vector_load_idx %arg11[%add3A_49, %broadcast_in_dim3A_201] : memref<64x64xf32, #tpu.memory_space<vmem>>[vector<16xi32>, vector<16xi32>], vector<16xf32>,
        %gather3A_203 = tpu.vector_load_idx %arg12[%add3A_49, %broadcast_in_dim3A_201] : memref<64x64xf32, #tpu.memory_space<vmem>>[vector<16xi32>, vector<16xi32>], vector<16xf32>,
        %mul3A_204 = arith.mulf %gather3A_202, %gather3A_203 : vector<16xf32>
        %add3A_205 = arith.addf %add3A_199, %mul3A_204 : vector<16xf32>
        %broadcast_in_dim3A_206 = arith.constant 25 : i32
        %broadcast_in_dim3A_207 = vector.broadcast %broadcast_in_dim3A_206 : i32 to vector<16xi32>
        %gather3A_208 = tpu.vector_load_idx %arg11[%add3A_49, %broadcast_in_dim3A_207] : memref<64x64xf32, #tpu.memory_space<vmem>>[vector<16xi32>, vector<16xi32>], vector<16xf32>,
        %gather3A_209 = tpu.vector_load_idx %arg12[%add3A_49, %broadcast_in_dim3A_207] : memref<64x64xf32, #tpu.memory_space<vmem>>[vector<16xi32>, vector<16xi32>], vector<16xf32>,
        %mul3A_210 = arith.mulf %gather3A_208, %gather3A_209 : vector<16xf32>
        %add3A_211 = arith.addf %add3A_205, %mul3A_210 : vector<16xf32>
        %broadcast_in_dim3A_212 = arith.constant 26 : i32
        %broadcast_in_dim3A_213 = vector.broadcast %broadcast_in_dim3A_212 : i32 to vector<16xi32>
        %gather3A_214 = tpu.vector_load_idx %arg11[%add3A_49, %broadcast_in_dim3A_213] : memref<64x64xf32, #tpu.memory_space<vmem>>[vector<16xi32>, vector<16xi32>], vector<16xf32>,
        %gather3A_215 = tpu.vector_load_idx %arg12[%add3A_49, %broadcast_in_dim3A_213] : memref<64x64xf32, #tpu.memory_space<vmem>>[vector<16xi32>, vector<16xi32>], vector<16xf32>,
        %mul3A_216 = arith.mulf %gather3A_214, %gather3A_215 : vector<16xf32>
        %add3A_217 = arith.addf %add3A_211, %mul3A_216 : vector<16xf32>
        %broadcast_in_dim3A_218 = arith.constant 27 : i32
        %broadcast_in_dim3A_219 = vector.broadcast %broadcast_in_dim3A_218 : i32 to vector<16xi32>
        %gather3A_220 = tpu.vector_load_idx %arg11[%add3A_49, %broadcast_in_dim3A_219] : memref<64x64xf32, #tpu.memory_space<vmem>>[vector<16xi32>, vector<16xi32>], vector<16xf32>,
        %gather3A_221 = tpu.vector_load_idx %arg12[%add3A_49, %broadcast_in_dim3A_219] : memref<64x64xf32, #tpu.memory_space<vmem>>[vector<16xi32>, vector<16xi32>], vector<16xf32>,
        %mul3A_222 = arith.mulf %gather3A_220, %gather3A_221 : vector<16xf32>
        %add3A_223 = arith.addf %add3A_217, %mul3A_222 : vector<16xf32>
        %broadcast_in_dim3A_224 = arith.constant 28 : i32
        %broadcast_in_dim3A_225 = vector.broadcast %broadcast_in_dim3A_224 : i32 to vector<16xi32>
        %gather3A_226 = tpu.vector_load_idx %arg11[%add3A_49, %broadcast_in_dim3A_225] : memref<64x64xf32, #tpu.memory_space<vmem>>[vector<16xi32>, vector<16xi32>], vector<16xf32>,
        %gather3A_227 = tpu.vector_load_idx %arg12[%add3A_49, %broadcast_in_dim3A_225] : memref<64x64xf32, #tpu.memory_space<vmem>>[vector<16xi32>, vector<16xi32>], vector<16xf32>,
        %mul3A_228 = arith.mulf %gather3A_226, %gather3A_227 : vector<16xf32>
        %add3A_229 = arith.addf %add3A_223, %mul3A_228 : vector<16xf32>
        %broadcast_in_dim3A_230 = arith.constant 29 : i32
        %broadcast_in_dim3A_231 = vector.broadcast %broadcast_in_dim3A_230 : i32 to vector<16xi32>
        %gather3A_232 = tpu.vector_load_idx %arg11[%add3A_49, %broadcast_in_dim3A_231] : memref<64x64xf32, #tpu.memory_space<vmem>>[vector<16xi32>, vector<16xi32>], vector<16xf32>,
        %gather3A_233 = tpu.vector_load_idx %arg12[%add3A_49, %broadcast_in_dim3A_231] : memref<64x64xf32, #tpu.memory_space<vmem>>[vector<16xi32>, vector<16xi32>], vector<16xf32>,
        %mul3A_234 = arith.mulf %gather3A_232, %gather3A_233 : vector<16xf32>
        %add3A_235 = arith.addf %add3A_229, %mul3A_234 : vector<16xf32>
        %broadcast_in_dim3A_236 = arith.constant 30 : i32
        %broadcast_in_dim3A_237 = vector.broadcast %broadcast_in_dim3A_236 : i32 to vector<16xi32>
        %gather3A_238 = tpu.vector_load_idx %arg11[%add3A_49, %broadcast_in_dim3A_237] : memref<64x64xf32, #tpu.memory_space<vmem>>[vector<16xi32>, vector<16xi32>], vector<16xf32>,
        %gather3A_239 = tpu.vector_load_idx %arg12[%add3A_49, %broadcast_in_dim3A_237] : memref<64x64xf32, #tpu.memory_space<vmem>>[vector<16xi32>, vector<16xi32>], vector<16xf32>,
        %mul3A_240 = arith.mulf %gather3A_238, %gather3A_239 : vector<16xf32>
        %add3A_241 = arith.addf %add3A_235, %mul3A_240 : vector<16xf32>
        %broadcast_in_dim3A_242 = arith.constant 31 : i32
        %broadcast_in_dim3A_243 = vector.broadcast %broadcast_in_dim3A_242 : i32 to vector<16xi32>
        %gather3A_244 = tpu.vector_load_idx %arg11[%add3A_49, %broadcast_in_dim3A_243] : memref<64x64xf32, #tpu.memory_space<vmem>>[vector<16xi32>, vector<16xi32>], vector<16xf32>,
        %gather3A_245 = tpu.vector_load_idx %arg12[%add3A_49, %broadcast_in_dim3A_243] : memref<64x64xf32, #tpu.memory_space<vmem>>[vector<16xi32>, vector<16xi32>], vector<16xf32>,
        %mul3A_246 = arith.mulf %gather3A_244, %gather3A_245 : vector<16xf32>
        %add3A_247 = arith.addf %add3A_241, %mul3A_246 : vector<16xf32>
        %broadcast_in_dim3A_248 = arith.constant 32 : i32
        %broadcast_in_dim3A_249 = vector.broadcast %broadcast_in_dim3A_248 : i32 to vector<16xi32>
        %gather3A_250 = tpu.vector_load_idx %arg11[%add3A_49, %broadcast_in_dim3A_249] : memref<64x64xf32, #tpu.memory_space<vmem>>[vector<16xi32>, vector<16xi32>], vector<16xf32>,
        %gather3A_251 = tpu.vector_load_idx %arg12[%add3A_49, %broadcast_in_dim3A_249] : memref<64x64xf32, #tpu.memory_space<vmem>>[vector<16xi32>, vector<16xi32>], vector<16xf32>,
        %mul3A_252 = arith.mulf %gather3A_250, %gather3A_251 : vector<16xf32>
        %add3A_253 = arith.addf %add3A_247, %mul3A_252 : vector<16xf32>
        %broadcast_in_dim3A_254 = arith.constant 33 : i32
        %broadcast_in_dim3A_255 = vector.broadcast %broadcast_in_dim3A_254 : i32 to vector<16xi32>
        %gather3A_256 = tpu.vector_load_idx %arg11[%add3A_49, %broadcast_in_dim3A_255] : memref<64x64xf32, #tpu.memory_space<vmem>>[vector<16xi32>, vector<16xi32>], vector<16xf32>,
        %gather3A_257 = tpu.vector_load_idx %arg12[%add3A_49, %broadcast_in_dim3A_255] : memref<64x64xf32, #tpu.memory_space<vmem>>[vector<16xi32>, vector<16xi32>], vector<16xf32>,
        %mul3A_258 = arith.mulf %gather3A_256, %gather3A_257 : vector<16xf32>
        %add3A_259 = arith.addf %add3A_253, %mul3A_258 : vector<16xf32>
        %broadcast_in_dim3A_260 = arith.constant 34 : i32
        %broadcast_in_dim3A_261 = vector.broadcast %broadcast_in_dim3A_260 : i32 to vector<16xi32>
        %gather3A_262 = tpu.vector_load_idx %arg11[%add3A_49, %broadcast_in_dim3A_261] : memref<64x64xf32, #tpu.memory_space<vmem>>[vector<16xi32>, vector<16xi32>], vector<16xf32>,
        %gather3A_263 = tpu.vector_load_idx %arg12[%add3A_49, %broadcast_in_dim3A_261] : memref<64x64xf32, #tpu.memory_space<vmem>>[vector<16xi32>, vector<16xi32>], vector<16xf32>,
        %mul3A_264 = arith.mulf %gather3A_262, %gather3A_263 : vector<16xf32>
        %add3A_265 = arith.addf %add3A_259, %mul3A_264 : vector<16xf32>
        %broadcast_in_dim3A_266 = arith.constant 35 : i32
        %broadcast_in_dim3A_267 = vector.broadcast %broadcast_in_dim3A_266 : i32 to vector<16xi32>
        %gather3A_268 = tpu.vector_load_idx %arg11[%add3A_49, %broadcast_in_dim3A_267] : memref<64x64xf32, #tpu.memory_space<vmem>>[vector<16xi32>, vector<16xi32>], vector<16xf32>,
        %gather3A_269 = tpu.vector_load_idx %arg12[%add3A_49, %broadcast_in_dim3A_267] : memref<64x64xf32, #tpu.memory_space<vmem>>[vector<16xi32>, vector<16xi32>], vector<16xf32>,
        %mul3A_270 = arith.mulf %gather3A_268, %gather3A_269 : vector<16xf32>
        %add3A_271 = arith.addf %add3A_265, %mul3A_270 : vector<16xf32>
        %broadcast_in_dim3A_272 = arith.constant 36 : i32
        %broadcast_in_dim3A_273 = vector.broadcast %broadcast_in_dim3A_272 : i32 to vector<16xi32>
        %gather3A_274 = tpu.vector_load_idx %arg11[%add3A_49, %broadcast_in_dim3A_273] : memref<64x64xf32, #tpu.memory_space<vmem>>[vector<16xi32>, vector<16xi32>], vector<16xf32>,
        %gather3A_275 = tpu.vector_load_idx %arg12[%add3A_49, %broadcast_in_dim3A_273] : memref<64x64xf32, #tpu.memory_space<vmem>>[vector<16xi32>, vector<16xi32>], vector<16xf32>,
        %mul3A_276 = arith.mulf %gather3A_274, %gather3A_275 : vector<16xf32>
        %add3A_277 = arith.addf %add3A_271, %mul3A_276 : vector<16xf32>
        %broadcast_in_dim3A_278 = arith.constant 37 : i32
        %broadcast_in_dim3A_279 = vector.broadcast %broadcast_in_dim3A_278 : i32 to vector<16xi32>
        %gather3A_280 = tpu.vector_load_idx %arg11[%add3A_49, %broadcast_in_dim3A_279] : memref<64x64xf32, #tpu.memory_space<vmem>>[vector<16xi32>, vector<16xi32>], vector<16xf32>,
        %gather3A_281 = tpu.vector_load_idx %arg12[%add3A_49, %broadcast_in_dim3A_279] : memref<64x64xf32, #tpu.memory_space<vmem>>[vector<16xi32>, vector<16xi32>], vector<16xf32>,
        %mul3A_282 = arith.mulf %gather3A_280, %gather3A_281 : vector<16xf32>
        %add3A_283 = arith.addf %add3A_277, %mul3A_282 : vector<16xf32>
        %broadcast_in_dim3A_284 = arith.constant 38 : i32
        %broadcast_in_dim3A_285 = vector.broadcast %broadcast_in_dim3A_284 : i32 to vector<16xi32>
        %gather3A_286 = tpu.vector_load_idx %arg11[%add3A_49, %broadcast_in_dim3A_285] : memref<64x64xf32, #tpu.memory_space<vmem>>[vector<16xi32>, vector<16xi32>], vector<16xf32>,
        %gather3A_287 = tpu.vector_load_idx %arg12[%add3A_49, %broadcast_in_dim3A_285] : memref<64x64xf32, #tpu.memory_space<vmem>>[vector<16xi32>, vector<16xi32>], vector<16xf32>,
        %mul3A_288 = arith.mulf %gather3A_286, %gather3A_287 : vector<16xf32>
        %add3A_289 = arith.addf %add3A_283, %mul3A_288 : vector<16xf32>
        %broadcast_in_dim3A_290 = arith.constant 39 : i32
        %broadcast_in_dim3A_291 = vector.broadcast %broadcast_in_dim3A_290 : i32 to vector<16xi32>
        %gather3A_292 = tpu.vector_load_idx %arg11[%add3A_49, %broadcast_in_dim3A_291] : memref<64x64xf32, #tpu.memory_space<vmem>>[vector<16xi32>, vector<16xi32>], vector<16xf32>,
        %gather3A_293 = tpu.vector_load_idx %arg12[%add3A_49, %broadcast_in_dim3A_291] : memref<64x64xf32, #tpu.memory_space<vmem>>[vector<16xi32>, vector<16xi32>], vector<16xf32>,
        %mul3A_294 = arith.mulf %gather3A_292, %gather3A_293 : vector<16xf32>
        %add3A_295 = arith.addf %add3A_289, %mul3A_294 : vector<16xf32>
        %broadcast_in_dim3A_296 = arith.constant 40 : i32
        %broadcast_in_dim3A_297 = vector.broadcast %broadcast_in_dim3A_296 : i32 to vector<16xi32>
        %gather3A_298 = tpu.vector_load_idx %arg11[%add3A_49, %broadcast_in_dim3A_297] : memref<64x64xf32, #tpu.memory_space<vmem>>[vector<16xi32>, vector<16xi32>], vector<16xf32>,
        %gather3A_299 = tpu.vector_load_idx %arg12[%add3A_49, %broadcast_in_dim3A_297] : memref<64x64xf32, #tpu.memory_space<vmem>>[vector<16xi32>, vector<16xi32>], vector<16xf32>,
        %mul3A_300 = arith.mulf %gather3A_298, %gather3A_299 : vector<16xf32>
        %add3A_301 = arith.addf %add3A_295, %mul3A_300 : vector<16xf32>
        %broadcast_in_dim3A_302 = arith.constant 41 : i32
        %broadcast_in_dim3A_303 = vector.broadcast %broadcast_in_dim3A_302 : i32 to vector<16xi32>
        %gather3A_304 = tpu.vector_load_idx %arg11[%add3A_49, %broadcast_in_dim3A_303] : memref<64x64xf32, #tpu.memory_space<vmem>>[vector<16xi32>, vector<16xi32>], vector<16xf32>,
        %gather3A_305 = tpu.vector_load_idx %arg12[%add3A_49, %broadcast_in_dim3A_303] : memref<64x64xf32, #tpu.memory_space<vmem>>[vector<16xi32>, vector<16xi32>], vector<16xf32>,
        %mul3A_306 = arith.mulf %gather3A_304, %gather3A_305 : vector<16xf32>
        %add3A_307 = arith.addf %add3A_301, %mul3A_306 : vector<16xf32>
        %broadcast_in_dim3A_308 = arith.constant 42 : i32
        %broadcast_in_dim3A_309 = vector.broadcast %broadcast_in_dim3A_308 : i32 to vector<16xi32>
        %gather3A_310 = tpu.vector_load_idx %arg11[%add3A_49, %broadcast_in_dim3A_309] : memref<64x64xf32, #tpu.memory_space<vmem>>[vector<16xi32>, vector<16xi32>], vector<16xf32>,
        %gather3A_311 = tpu.vector_load_idx %arg12[%add3A_49, %broadcast_in_dim3A_309] : memref<64x64xf32, #tpu.memory_space<vmem>>[vector<16xi32>, vector<16xi32>], vector<16xf32>,
        %mul3A_312 = arith.mulf %gather3A_310, %gather3A_311 : vector<16xf32>
        %add3A_313 = arith.addf %add3A_307, %mul3A_312 : vector<16xf32>
        %broadcast_in_dim3A_314 = arith.constant 43 : i32
        %broadcast_in_dim3A_315 = vector.broadcast %broadcast_in_dim3A_314 : i32 to vector<16xi32>
        %gather3A_316 = tpu.vector_load_idx %arg11[%add3A_49, %broadcast_in_dim3A_315] : memref<64x64xf32, #tpu.memory_space<vmem>>[vector<16xi32>, vector<16xi32>], vector<16xf32>,
        %gather3A_317 = tpu.vector_load_idx %arg12[%add3A_49, %broadcast_in_dim3A_315] : memref<64x64xf32, #tpu.memory_space<vmem>>[vector<16xi32>, vector<16xi32>], vector<16xf32>,
        %mul3A_318 = arith.mulf %gather3A_316, %gather3A_317 : vector<16xf32>
        %add3A_319 = arith.addf %add3A_313, %mul3A_318 : vector<16xf32>
        %broadcast_in_dim3A_320 = arith.constant 44 : i32
        %broadcast_in_dim3A_321 = vector.broadcast %broadcast_in_dim3A_320 : i32 to vector<16xi32>
        %gather3A_322 = tpu.vector_load_idx %arg11[%add3A_49, %broadcast_in_dim3A_321] : memref<64x64xf32, #tpu.memory_space<vmem>>[vector<16xi32>, vector<16xi32>], vector<16xf32>,
        %gather3A_323 = tpu.vector_load_idx %arg12[%add3A_49, %broadcast_in_dim3A_321] : memref<64x64xf32, #tpu.memory_space<vmem>>[vector<16xi32>, vector<16xi32>], vector<16xf32>,
        %mul3A_324 = arith.mulf %gather3A_322, %gather3A_323 : vector<16xf32>
        %add3A_325 = arith.addf %add3A_319, %mul3A_324 : vector<16xf32>
        %broadcast_in_dim3A_326 = arith.constant 45 : i32
        %broadcast_in_dim3A_327 = vector.broadcast %broadcast_in_dim3A_326 : i32 to vector<16xi32>
        %gather3A_328 = tpu.vector_load_idx %arg11[%add3A_49, %broadcast_in_dim3A_327] : memref<64x64xf32, #tpu.memory_space<vmem>>[vector<16xi32>, vector<16xi32>], vector<16xf32>,
        %gather3A_329 = tpu.vector_load_idx %arg12[%add3A_49, %broadcast_in_dim3A_327] : memref<64x64xf32, #tpu.memory_space<vmem>>[vector<16xi32>, vector<16xi32>], vector<16xf32>,
        %mul3A_330 = arith.mulf %gather3A_328, %gather3A_329 : vector<16xf32>
        %add3A_331 = arith.addf %add3A_325, %mul3A_330 : vector<16xf32>
        %broadcast_in_dim3A_332 = arith.constant 46 : i32
        %broadcast_in_dim3A_333 = vector.broadcast %broadcast_in_dim3A_332 : i32 to vector<16xi32>
        %gather3A_334 = tpu.vector_load_idx %arg11[%add3A_49, %broadcast_in_dim3A_333] : memref<64x64xf32, #tpu.memory_space<vmem>>[vector<16xi32>, vector<16xi32>], vector<16xf32>,
        %gather3A_335 = tpu.vector_load_idx %arg12[%add3A_49, %broadcast_in_dim3A_333] : memref<64x64xf32, #tpu.memory_space<vmem>>[vector<16xi32>, vector<16xi32>], vector<16xf32>,
        %mul3A_336 = arith.mulf %gather3A_334, %gather3A_335 : vector<16xf32>
        %add3A_337 = arith.addf %add3A_331, %mul3A_336 : vector<16xf32>
        %broadcast_in_dim3A_338 = arith.constant 47 : i32
        %broadcast_in_dim3A_339 = vector.broadcast %broadcast_in_dim3A_338 : i32 to vector<16xi32>
        %gather3A_340 = tpu.vector_load_idx %arg11[%add3A_49, %broadcast_in_dim3A_339] : memref<64x64xf32, #tpu.memory_space<vmem>>[vector<16xi32>, vector<16xi32>], vector<16xf32>,
        %gather3A_341 = tpu.vector_load_idx %arg12[%add3A_49, %broadcast_in_dim3A_339] : memref<64x64xf32, #tpu.memory_space<vmem>>[vector<16xi32>, vector<16xi32>], vector<16xf32>,
        %mul3A_342 = arith.mulf %gather3A_340, %gather3A_341 : vector<16xf32>
        %add3A_343 = arith.addf %add3A_337, %mul3A_342 : vector<16xf32>
        %broadcast_in_dim3A_344 = arith.constant 48 : i32
        %broadcast_in_dim3A_345 = vector.broadcast %broadcast_in_dim3A_344 : i32 to vector<16xi32>
        %gather3A_346 = tpu.vector_load_idx %arg11[%add3A_49, %broadcast_in_dim3A_345] : memref<64x64xf32, #tpu.memory_space<vmem>>[vector<16xi32>, vector<16xi32>], vector<16xf32>,
        %gather3A_347 = tpu.vector_load_idx %arg12[%add3A_49, %broadcast_in_dim3A_345] : memref<64x64xf32, #tpu.memory_space<vmem>>[vector<16xi32>, vector<16xi32>], vector<16xf32>,
        %mul3A_348 = arith.mulf %gather3A_346, %gather3A_347 : vector<16xf32>
        %add3A_349 = arith.addf %add3A_343, %mul3A_348 : vector<16xf32>
        %broadcast_in_dim3A_350 = arith.constant 49 : i32
        %broadcast_in_dim3A_351 = vector.broadcast %broadcast_in_dim3A_350 : i32 to vector<16xi32>
        %gather3A_352 = tpu.vector_load_idx %arg11[%add3A_49, %broadcast_in_dim3A_351] : memref<64x64xf32, #tpu.memory_space<vmem>>[vector<16xi32>, vector<16xi32>], vector<16xf32>,
        %gather3A_353 = tpu.vector_load_idx %arg12[%add3A_49, %broadcast_in_dim3A_351] : memref<64x64xf32, #tpu.memory_space<vmem>>[vector<16xi32>, vector<16xi32>], vector<16xf32>,
        %mul3A_354 = arith.mulf %gather3A_352, %gather3A_353 : vector<16xf32>
        %add3A_355 = arith.addf %add3A_349, %mul3A_354 : vector<16xf32>
        %broadcast_in_dim3A_356 = arith.constant 50 : i32
        %broadcast_in_dim3A_357 = vector.broadcast %broadcast_in_dim3A_356 : i32 to vector<16xi32>
        %gather3A_358 = tpu.vector_load_idx %arg11[%add3A_49, %broadcast_in_dim3A_357] : memref<64x64xf32, #tpu.memory_space<vmem>>[vector<16xi32>, vector<16xi32>], vector<16xf32>,
        %gather3A_359 = tpu.vector_load_idx %arg12[%add3A_49, %broadcast_in_dim3A_357] : memref<64x64xf32, #tpu.memory_space<vmem>>[vector<16xi32>, vector<16xi32>], vector<16xf32>,
        %mul3A_360 = arith.mulf %gather3A_358, %gather3A_359 : vector<16xf32>
        %add3A_361 = arith.addf %add3A_355, %mul3A_360 : vector<16xf32>
        %broadcast_in_dim3A_362 = arith.constant 51 : i32
        %broadcast_in_dim3A_363 = vector.broadcast %broadcast_in_dim3A_362 : i32 to vector<16xi32>
        %gather3A_364 = tpu.vector_load_idx %arg11[%add3A_49, %broadcast_in_dim3A_363] : memref<64x64xf32, #tpu.memory_space<vmem>>[vector<16xi32>, vector<16xi32>], vector<16xf32>,
        %gather3A_365 = tpu.vector_load_idx %arg12[%add3A_49, %broadcast_in_dim3A_363] : memref<64x64xf32, #tpu.memory_space<vmem>>[vector<16xi32>, vector<16xi32>], vector<16xf32>,
        %mul3A_366 = arith.mulf %gather3A_364, %gather3A_365 : vector<16xf32>
        %add3A_367 = arith.addf %add3A_361, %mul3A_366 : vector<16xf32>
        %broadcast_in_dim3A_368 = arith.constant 52 : i32
        %broadcast_in_dim3A_369 = vector.broadcast %broadcast_in_dim3A_368 : i32 to vector<16xi32>
        %gather3A_370 = tpu.vector_load_idx %arg11[%add3A_49, %broadcast_in_dim3A_369] : memref<64x64xf32, #tpu.memory_space<vmem>>[vector<16xi32>, vector<16xi32>], vector<16xf32>,
        %gather3A_371 = tpu.vector_load_idx %arg12[%add3A_49, %broadcast_in_dim3A_369] : memref<64x64xf32, #tpu.memory_space<vmem>>[vector<16xi32>, vector<16xi32>], vector<16xf32>,
        %mul3A_372 = arith.mulf %gather3A_370, %gather3A_371 : vector<16xf32>
        %add3A_373 = arith.addf %add3A_367, %mul3A_372 : vector<16xf32>
        %broadcast_in_dim3A_374 = arith.constant 53 : i32
        %broadcast_in_dim3A_375 = vector.broadcast %broadcast_in_dim3A_374 : i32 to vector<16xi32>
        %gather3A_376 = tpu.vector_load_idx %arg11[%add3A_49, %broadcast_in_dim3A_375] : memref<64x64xf32, #tpu.memory_space<vmem>>[vector<16xi32>, vector<16xi32>], vector<16xf32>,
        %gather3A_377 = tpu.vector_load_idx %arg12[%add3A_49, %broadcast_in_dim3A_375] : memref<64x64xf32, #tpu.memory_space<vmem>>[vector<16xi32>, vector<16xi32>], vector<16xf32>,
        %mul3A_378 = arith.mulf %gather3A_376, %gather3A_377 : vector<16xf32>
        %add3A_379 = arith.addf %add3A_373, %mul3A_378 : vector<16xf32>
        %broadcast_in_dim3A_380 = arith.constant 54 : i32
        %broadcast_in_dim3A_381 = vector.broadcast %broadcast_in_dim3A_380 : i32 to vector<16xi32>
        %gather3A_382 = tpu.vector_load_idx %arg11[%add3A_49, %broadcast_in_dim3A_381] : memref<64x64xf32, #tpu.memory_space<vmem>>[vector<16xi32>, vector<16xi32>], vector<16xf32>,
        %gather3A_383 = tpu.vector_load_idx %arg12[%add3A_49, %broadcast_in_dim3A_381] : memref<64x64xf32, #tpu.memory_space<vmem>>[vector<16xi32>, vector<16xi32>], vector<16xf32>,
        %mul3A_384 = arith.mulf %gather3A_382, %gather3A_383 : vector<16xf32>
        %add3A_385 = arith.addf %add3A_379, %mul3A_384 : vector<16xf32>
        %broadcast_in_dim3A_386 = arith.constant 55 : i32
        %broadcast_in_dim3A_387 = vector.broadcast %broadcast_in_dim3A_386 : i32 to vector<16xi32>
        %gather3A_388 = tpu.vector_load_idx %arg11[%add3A_49, %broadcast_in_dim3A_387] : memref<64x64xf32, #tpu.memory_space<vmem>>[vector<16xi32>, vector<16xi32>], vector<16xf32>,
        %gather3A_389 = tpu.vector_load_idx %arg12[%add3A_49, %broadcast_in_dim3A_387] : memref<64x64xf32, #tpu.memory_space<vmem>>[vector<16xi32>, vector<16xi32>], vector<16xf32>,
        %mul3A_390 = arith.mulf %gather3A_388, %gather3A_389 : vector<16xf32>
        %add3A_391 = arith.addf %add3A_385, %mul3A_390 : vector<16xf32>
        %broadcast_in_dim3A_392 = arith.constant 56 : i32
        %broadcast_in_dim3A_393 = vector.broadcast %broadcast_in_dim3A_392 : i32 to vector<16xi32>
        %gather3A_394 = tpu.vector_load_idx %arg11[%add3A_49, %broadcast_in_dim3A_393] : memref<64x64xf32, #tpu.memory_space<vmem>>[vector<16xi32>, vector<16xi32>], vector<16xf32>,
        %gather3A_395 = tpu.vector_load_idx %arg12[%add3A_49, %broadcast_in_dim3A_393] : memref<64x64xf32, #tpu.memory_space<vmem>>[vector<16xi32>, vector<16xi32>], vector<16xf32>,
        %mul3A_396 = arith.mulf %gather3A_394, %gather3A_395 : vector<16xf32>
        %add3A_397 = arith.addf %add3A_391, %mul3A_396 : vector<16xf32>
        %broadcast_in_dim3A_398 = arith.constant 57 : i32
        %broadcast_in_dim3A_399 = vector.broadcast %broadcast_in_dim3A_398 : i32 to vector<16xi32>
        %gather3A_400 = tpu.vector_load_idx %arg11[%add3A_49, %broadcast_in_dim3A_399] : memref<64x64xf32, #tpu.memory_space<vmem>>[vector<16xi32>, vector<16xi32>], vector<16xf32>,
        %gather3A_401 = tpu.vector_load_idx %arg12[%add3A_49, %broadcast_in_dim3A_399] : memref<64x64xf32, #tpu.memory_space<vmem>>[vector<16xi32>, vector<16xi32>], vector<16xf32>,
        %mul3A_402 = arith.mulf %gather3A_400, %gather3A_401 : vector<16xf32>
        %add3A_403 = arith.addf %add3A_397, %mul3A_402 : vector<16xf32>
        %broadcast_in_dim3A_404 = arith.constant 58 : i32
        %broadcast_in_dim3A_405 = vector.broadcast %broadcast_in_dim3A_404 : i32 to vector<16xi32>
        %gather3A_406 = tpu.vector_load_idx %arg11[%add3A_49, %broadcast_in_dim3A_405] : memref<64x64xf32, #tpu.memory_space<vmem>>[vector<16xi32>, vector<16xi32>], vector<16xf32>,
        %gather3A_407 = tpu.vector_load_idx %arg12[%add3A_49, %broadcast_in_dim3A_405] : memref<64x64xf32, #tpu.memory_space<vmem>>[vector<16xi32>, vector<16xi32>], vector<16xf32>,
        %mul3A_408 = arith.mulf %gather3A_406, %gather3A_407 : vector<16xf32>
        %add3A_409 = arith.addf %add3A_403, %mul3A_408 : vector<16xf32>
        %broadcast_in_dim3A_410 = arith.constant 59 : i32
        %broadcast_in_dim3A_411 = vector.broadcast %broadcast_in_dim3A_410 : i32 to vector<16xi32>
        %gather3A_412 = tpu.vector_load_idx %arg11[%add3A_49, %broadcast_in_dim3A_411] : memref<64x64xf32, #tpu.memory_space<vmem>>[vector<16xi32>, vector<16xi32>], vector<16xf32>,
        %gather3A_413 = tpu.vector_load_idx %arg12[%add3A_49, %broadcast_in_dim3A_411] : memref<64x64xf32, #tpu.memory_space<vmem>>[vector<16xi32>, vector<16xi32>], vector<16xf32>,
        %mul3A_414 = arith.mulf %gather3A_412, %gather3A_413 : vector<16xf32>
        %add3A_415 = arith.addf %add3A_409, %mul3A_414 : vector<16xf32>
        %broadcast_in_dim3A_416 = arith.constant 60 : i32
        %broadcast_in_dim3A_417 = vector.broadcast %broadcast_in_dim3A_416 : i32 to vector<16xi32>
        %gather3A_418 = tpu.vector_load_idx %arg11[%add3A_49, %broadcast_in_dim3A_417] : memref<64x64xf32, #tpu.memory_space<vmem>>[vector<16xi32>, vector<16xi32>], vector<16xf32>,
        %gather3A_419 = tpu.vector_load_idx %arg12[%add3A_49, %broadcast_in_dim3A_417] : memref<64x64xf32, #tpu.memory_space<vmem>>[vector<16xi32>, vector<16xi32>], vector<16xf32>,
        %mul3A_420 = arith.mulf %gather3A_418, %gather3A_419 : vector<16xf32>
        %add3A_421 = arith.addf %add3A_415, %mul3A_420 : vector<16xf32>
        %broadcast_in_dim3A_422 = arith.constant 61 : i32
        %broadcast_in_dim3A_423 = vector.broadcast %broadcast_in_dim3A_422 : i32 to vector<16xi32>
        %gather3A_424 = tpu.vector_load_idx %arg11[%add3A_49, %broadcast_in_dim3A_423] : memref<64x64xf32, #tpu.memory_space<vmem>>[vector<16xi32>, vector<16xi32>], vector<16xf32>,
        %gather3A_425 = tpu.vector_load_idx %arg12[%add3A_49, %broadcast_in_dim3A_423] : memref<64x64xf32, #tpu.memory_space<vmem>>[vector<16xi32>, vector<16xi32>], vector<16xf32>,
        %mul3A_426 = arith.mulf %gather3A_424, %gather3A_425 : vector<16xf32>
        %add3A_427 = arith.addf %add3A_421, %mul3A_426 : vector<16xf32>
        %broadcast_in_dim3A_428 = arith.constant 62 : i32
        %broadcast_in_dim3A_429 = vector.broadcast %broadcast_in_dim3A_428 : i32 to vector<16xi32>
        %gather3A_430 = tpu.vector_load_idx %arg11[%add3A_49, %broadcast_in_dim3A_429] : memref<64x64xf32, #tpu.memory_space<vmem>>[vector<16xi32>, vector<16xi32>], vector<16xf32>,
        %gather3A_431 = tpu.vector_load_idx %arg12[%add3A_49, %broadcast_in_dim3A_429] : memref<64x64xf32, #tpu.memory_space<vmem>>[vector<16xi32>, vector<16xi32>], vector<16xf32>,
        %mul3A_432 = arith.mulf %gather3A_430, %gather3A_431 : vector<16xf32>
        %add3A_433 = arith.addf %add3A_427, %mul3A_432 : vector<16xf32>
        %broadcast_in_dim3A_434 = arith.constant 63 : i32
        %broadcast_in_dim3A_435 = vector.broadcast %broadcast_in_dim3A_434 : i32 to vector<16xi32>
        %gather3A_436 = tpu.vector_load_idx %arg11[%add3A_49, %broadcast_in_dim3A_435] : memref<64x64xf32, #tpu.memory_space<vmem>>[vector<16xi32>, vector<16xi32>], vector<16xf32>,
        %gather3A_437 = tpu.vector_load_idx %arg12[%add3A_49, %broadcast_in_dim3A_435] : memref<64x64xf32, #tpu.memory_space<vmem>>[vector<16xi32>, vector<16xi32>], vector<16xf32>,
        %mul3A_438 = arith.mulf %gather3A_436, %gather3A_437 : vector<16xf32>
        %add3A_439 = arith.addf %add3A_433, %mul3A_438 : vector<16xf32>
        %mul3A_440 = arith.constant 16 : i32
        %mul3A_441 = arith.muli %sub3A_44, %mul3A_440 : i32
        %swap3A = arith.index_cast %mul3A_441 : i32 to index
        %swap3A_442 = tpu.vector_load %arg15[%swap3A] {strides = array<i32>} : memref<512xf32, #tpu.memory_space<vmem>>, vector<16xf32>,
        tpu.vector_store %arg15[%swap3A], %add3A_439 {strides = array<i32>} : memref<512xf32, #tpu.memory_space<vmem>>, vector<16xf32>,
      } else {
      }
    }
    %scan3A_12 = arith.constant 35 : i32
    "tpu.region"() ({
      %run_scoped3A = tpu.sem_alloc : memref<!tpu.dma_semaphore, #tpu.memory_space<semaphore_mem>>
      %dma_start3A_13 = tpu.memref_slice %arg8[%mul3A_2] : memref<16384xf32, #tpu.memory_space<hbm>> -> memref<512xf32, #tpu.memory_space<hbm>>
      %dma_start3A_14 = tpu.memref_slice %arg8[%mul3A_2] : memref<16384xf32, #tpu.memory_space<hbm>> -> memref<512xf32, #tpu.memory_space<hbm>>
      tpu.enqueue_dma source(%arg15 : memref<512xf32, #tpu.memory_space<vmem>>) target(%dma_start3A_14 : memref<512xf32, #tpu.memory_space<hbm>>) target_semaphore(%run_scoped3A : memref<!tpu.dma_semaphore, #tpu.memory_space<semaphore_mem>>)
      %dma_wait3A_15 = tpu.memref_slice %arg8[%mul3A_2] : memref<16384xf32, #tpu.memory_space<hbm>> -> memref<512xf32, #tpu.memory_space<hbm>>
      %dma_wait3A_16 = tpu.memref_slice %arg8[%mul3A_2] : memref<16384xf32, #tpu.memory_space<hbm>> -> memref<512xf32, #tpu.memory_space<hbm>>
      tpu.wait_dma2 semaphore(%run_scoped3A : memref<!tpu.dma_semaphore, #tpu.memory_space<semaphore_mem>>) src(%arg15 : memref<512xf32, #tpu.memory_space<vmem>>) dst(%dma_wait3A_16 : memref<512xf32, #tpu.memory_space<hbm>>)
      tpu.yield
    }) : () -> ()
    return
  }
}

</mosaic_0001>

<sc_bundles>
// kernel: kernel.3.cloned.1.call-start
scs
__scs_entry_jumppad:
0x0: {  	(pc) =	sbr.rel $0x88, $3  }
0x1: {  	(tag) =	ssettag $0x0;
	lr =	simm.s32 $0x1  }
0x2: {  	[smem:$0x3F9B] =	sst lr;
	_ =	strace $0xD0000000  }
0x3: {  	_ = 	snop  }
0x4: {  	_ = 	snop  }
0x5: {  	_ = 	snop  }
0x6: {  	_ = 	snop  }
0x7: {  	_ = 	snop  }
__scs_overlays_trampoline_lowered:
0x8: {  	[smem:$0x3FAA] =	sst s0  }
0x9: {  	[smem:$0x3FAB] =	sst s1  }
0xa: {  	[smem:$0x3FAC] =	sst s2  }
0xb: {  	[smem:$0x3FAD] =	sst s3  }
0xc: {  	[smem:$0x3FAE] =	sst s4  }
0xd: {  	[smem:$0x3FAF] =	sst s5  }
0xe: {  	[smem:$0x3FB0] =	sst s6  }
0xf: {  	[smem:$0x3FB1] =	sst s7  }
0x10: {  	[smem:$0x3FB2] =	sst s8  }
0x11: {  	[smem:$0x3FB3] =	sst s9;
	s0 =	simm.s32 @!p0 $0x0  }
0x12: {  	s1 =	sld [smem:$0x3F99];
	s0 =	simm.s32 @p0 $0x1  }
0x13: {  	[smem:$0x3FB4] =	sst s0;
	s0 =	simm.s32 @!p1 $0x0  }
0x14: {  	s2 =	sld [smem:$0x3F98];
	s0 =	simm.s32 @p1 $0x1  }
0x15: {  	[smem:$0x3FB5] =	sst s0;
	s0 =	simm.s32 @!p2 $0x0  }
0x16: {  	s3 =	sld [smem:$0x3FDB];
	s0 =	simm.s32 @p2 $0x1  }
0x17: {  	s4 =	simm.s32 $0x1BF5;
	[smem:$0x3FB7] =	sst s0  }
0x18: {  	s0 =	sld [smem:$0x3F9A];
	_ =	swait.ge [sflag:s4], $0x0  }
0x19: {  	s7 =	sld [smem:$0x3F9B]  }
0x1a: {  	s8 =	sadd.s32 $0xFFFFE003, lr  }
0x1b: {  	s9 =	sadd.s32 $0xFFFFFEF7, lr;
	s5 =	simm.s32 $0xFFFFFFFF;
	p2 =	slt.u32 s8, $0xFFFFF086  }
0x1c: {  	p1 =	slt.u32 s9, $0xF7A;
	s5 =	simm.s32 @!p2 $0x0  }
0x1d: {  	s5 =	simm.s32 @p1 $0x1;
	p0 =	seq.s32 s7, s2  }
0x1e: {  	s7 =	smul.u32 @!p0 $0xF7A, s2;
	p2 =	seq.s32 @!p0 s5, $0x0  }
0x1f: {  	s9 =	smul.u32 $0xF7A, s1;
	s8 =	simm.s32 @!p0 $0x1BF5;
	p2 =	por !p2, p0  }
0x20: {  	[sflag:s8] =	ssyncset.s32 @!p0 $0xFFFFF086;
	s6 =	sadd.s32 @!p0 s3, s7;
	s7 =	simm.s32 @!p0 $0x108  }
0x21: {  	s3 =	sadd.s32 s3, s9;
	s6 =	sadd.s32 @!p0 $0x88, s6;
	s7 =	simm.s32 @p2 $0x1082  }
0x22: {  	[simem:s7], [sflag:s8] =	dma.local @!p0 [hbm:s6], $0xF7A  }
0x23: {  	s9 =	sor.u32 $0xD0000000, s2;
	s6 =	simm.s32 $0x108;
	_ =	swait.ge @!p0 [sflag:s8], $0x0  }
0x24: {  	s3 =	sadd.s32 $0x88, s3;
	s6 =	simm.s32 @!p1 $0x1082;
	[sflag:s4] =	ssyncset.s32 $0xFFFFF086  }
0x25: {  	[simem:s6], [sflag:s4] =	dma.local [hbm:s3], $0xF7A  }
0x26: {  	[smem:$0x3F9B] =	sst s1;
	(tag) =	ssettag s2;
	_ =	strace s9  }
0x27: {  	s1 =	sld [smem:$0x3FAB]  }
0x28: {  	s2 =	sld [smem:$0x3FAC]  }
0x29: {  	s4 =	sld [smem:$0x3FAE]  }
0x2a: {  	p0 =	seq.s32 s5, $0x0;
	s5 =	sld [smem:$0x3FAF]  }
0x2b: {  	s6 =	sld [smem:$0x3FB0]  }
0x2c: {  	s7 =	sld [smem:$0x3FB1]  }
0x2d: {  	s3 =	simm.s32 $0x108;
	s8 =	sld [smem:$0x3FB2]  }
0x2e: {  	s3 =	simm.s32 @!p0 $0x1082;
	s9 =	sld [smem:$0x3FB3]  }
0x2f: {  	lr =	sadd.s32 s0, s3;
	s0 =	sld [smem:$0x3FAA]  }
0x30: {  	s3 =	sld [smem:$0x3FAD]  }
0x31: {  	[smem:$0x3FB6] =	sst s10  }
0x32: {  	s10 =	sld [smem:$0x3FB4];
	_ =	sdelay $0x3  }
0x33: {  	p0 =	seq.s32 s10, $0x1;
	s10 =	sld [smem:$0x3FB6];
	_ =	sdelay $0x3  }
0x34: {  	[smem:$0x3FB6] =	sst s10  }
0x35: {  	s10 =	sld [smem:$0x3FB5];
	_ =	sdelay $0x3  }
0x36: {  	p1 =	seq.s32 s10, $0x1;
	s10 =	sld [smem:$0x3FB6];
	_ =	sdelay $0x3  }
0x37: {  	[smem:$0x3FB6] =	sst s10  }
0x38: {  	s10 =	sld [smem:$0x3FB7]  }
0x39: {  	_ = 	snop;
	(pc) =	sbr.ind lr, $3  }
0x3a: {  	_ = 	snop  }
0x3b: {  	_ = 	snop  }
0x3c: {  	p2 =	seq.s32 s10, $0x1;
	s10 =	sld [smem:$0x3FB6]  }
0x3d: {  	_ =	shalt  }
0x3e: {  	_ =	shalt  }
0x3f: {  	_ =	shalt  }
0x40: {  	_ =	shalt  }
0x41: {  	_ =	shalt  }
0x42: {  	_ =	shalt  }
0x43: {  	_ =	shalt  }
0x44: {  	_ =	shalt  }
0x45: {  	_ =	shalt  }
0x46: {  	_ =	shalt  }
0x47: {  	_ =	shalt  }
0x48: {  	_ =	shalt  }
0x49: {  	_ =	shalt  }
0x4a: {  	_ =	shalt  }
0x4b: {  	_ =	shalt  }
0x4c: {  	_ =	shalt  }
0x4d: {  	_ =	shalt  }
0x4e: {  	_ =	shalt  }
0x4f: {  	_ =	shalt  }
0x50: {  	_ =	shalt  }
0x51: {  	_ =	shalt  }
0x52: {  	_ =	shalt  }
0x53: {  	_ =	shalt  }
0x54: {  	_ =	shalt  }
0x55: {  	_ =	shalt  }
0x56: {  	_ =	shalt  }
0x57: {  	_ =	shalt  }
0x58: {  	_ =	shalt  }
0x59: {  	_ =	shalt  }
0x5a: {  	_ =	shalt  }
0x5b: {  	_ =	shalt  }
0x5c: {  	_ =	shalt  }
0x5d: {  	_ =	shalt  }
0x5e: {  	_ =	shalt  }
0x5f: {  	_ =	shalt  }
0x60: {  	_ =	shalt  }
0x61: {  	_ =	shalt  }
0x62: {  	_ =	shalt  }
0x63: {  	_ =	shalt  }
0x64: {  	_ =	shalt  }
0x65: {  	_ =	shalt  }
0x66: {  	_ =	shalt  }
0x67: {  	_ =	shalt  }
0x68: {  	_ =	shalt  }
0x69: {  	_ =	shalt  }
0x6a: {  	_ =	shalt  }
0x6b: {  	_ =	shalt  }
0x6c: {  	_ =	shalt  }
0x6d: {  	_ =	shalt  }
0x6e: {  	_ =	shalt  }
0x6f: {  	_ =	shalt  }
0x70: {  	_ =	shalt  }
0x71: {  	_ =	shalt  }
0x72: {  	_ =	shalt  }
0x73: {  	_ =	shalt  }
0x74: {  	_ =	shalt  }
0x75: {  	_ =	shalt  }
0x76: {  	_ =	shalt  }
0x77: {  	_ =	shalt  }
0x78: {  	_ =	shalt  }
0x79: {  	_ =	shalt  }
0x7a: {  	_ =	shalt  }
0x7b: {  	_ =	shalt  }
0x7c: {  	_ =	shalt  }
0x7d: {  	_ =	shalt  }
0x7e: {  	_ =	shalt  }
0x7f: {  	_ =	shalt  }
0x80: {  	_ =	shalt  }
0x81: {  	_ =	shalt  }
0x82: {  	_ =	shalt  }
0x83: {  	_ =	shalt  }
0x84: {  	_ =	shalt  }
0x85: {  	_ =	shalt  }
0x86: {  	_ =	shalt  }
0x87: {  	_ =	shalt  }
.Lfunc_end0:
.L_simem_size_0:
called_computation_lowered:
.L_overlay_start_0:
0x88: {  	s2 =	sld [smem:$0x3FD9]  }
0x89: {  	s3 =	sld [smem:$0x3FFE];
	_ =	sdelay $0x1  }
0x8a: {  	s1 =	srdreg.scid  }
0x8b: {  	s0 =	sand.u32 $0x1, s1  }
0x8c: {  	s17 =	sshll.u32 s0, $0xA;
	s2 =	sadd.s32 s3, s2  }
0x8d: {  	s2 =	sadd.s32 s2, s17  }
0x8e: {  	[smem:$0x3FC2] =	sst s2  }
0x8f: {  	_ = 	snop  }
0x90: {  	s2 =	sld [smem:$0x3FC9]  }
0x91: {  	s18 =	sld [smem:$0x3FC8]  }
0x92: {  	s4 =	sld [smem:$0x3FD0];
	(tm) =	ssettm $0x1  }
0x93: {  	s5 =	sld [smem:$0x3FFB];
	_ =	sdelay $0x3  }
0x94: {  	_ =	strace s5  }
0x95: {  	s5 =	sld [smem:$0x3FFC];
	_ =	sdelay $0x3  }
0x96: {  	_ =	strace s5  }
0x97: {  	s5 =	sld [smem:$0x3FFD];
	_ =	sdelay $0x3  }
0x98: {  	_ =	strace s5  }
0x99: {  	_ =	strace $0x8FFFFFFF  }
0x9a: {  	s19 =	sld [smem:$0x3FDB];
	_ =	sdelay $0x1  }
0x9b: {  	s6 =	simm.s32 $_scs_section_size  }
0x9c: {  	s7 =	simm.s32 $_size__tile_overlayer_lowered;
	s8 =	simm.s32 $_tile_overlayer_lowered  }
0x9d: {  	s22 =	simm.s32 $0x1BFF;
	s21 =	sshll.u32 s8, $0x1;
	s5 =	sadd.s32 s6, s19  }
0x9e: {  	s9 =	simm.s32 $0x0;
	s20 =	sshll.u32 s7, $0x1;
	s7 =	sadd.s32 s21, s5  }
0x9f: {  	[timem:s9], [sflag:s22] =	dma.local [hbm:s7], s20  }
0xa0: {  	_ =	swait.ge [sflag:s22], s20  }
0xa1: {  	s6 =	ssub.s32 $0x0, s20;
	[sflag:s22] =	ssyncset.done $0x0  }
0xa2: {  	[sflag:s22] =	ssyncadd.s32 s6;
	_ =	sdelay $0x1  }
0xa3: {  	s23 =	simm.s32 $0x1B8B  }
0xa4: {  	_ =	swait.ge [sflag:s23], $0x1  }
0xa5: {  	[sflag:s23] =	ssyncset.done $0x0  }
0xa6: {  	s25 =	simm.s32 $0x1B8E;
	s24 =	sld [smem:$0x3FFE];
	[sflag:s23] =	ssyncadd.s32 $0xFFFFFFFF  }
0xa7: {  	s26 =	simm.s32 $execute0_lowered;
	[smem:$0x3FD2] =	sst s25  }
0xa8: {  	s7 =	sshll.u32 s26, $0x1;
	_ =	strace $0x80000046;
	[dreg:$0x1] =	wrdreg $0xFFFFFFFF  }
0xa9: {  	s28 =	simm.s32 $_size_execute0_lowered;
	s5 =	sadd.s32 s5, s7;
	[dreg:$0x0] =	wrdreg $0x0  }
0xaa: {  	s7 =	sshll.u32 s28, $0x1;
	[dreg:$0x2] =	wrdreg s5  }
0xab: {  	[dreg:$0x3] =	wrdreg s7  }
0xac: {  	[dreg:$0x4] =	wrdreg $0xC0  }
0xad: {  	_ =	task [dreg:s9], $0x5FFFF  }
0xae: {  	[dreg:$0x1] =	wrdreg $0xFFFFFFFF  }
0xaf: {  	[dreg:$0x0] =	wrdreg $0x60  }
0xb0: {  	[dreg:$0x2] =	wrdreg s2  }
0xb1: {  	[dreg:$0x3] =	wrdreg s18  }
0xb2: {  	[dreg:$0x4] =	wrdreg s24  }
0xb3: {  	[dreg:$0x5] =	wrdreg s4  }
0xb4: {  	[dreg:$0x6] =	wrdreg $0x9  }
0xb5: {  	_ =	task.clear_ibuf [dreg:s9], $0x7FFFF;
	_ =	strace $0x90000046  }
0xb6: {  	s29 =	simm.s32 $0x9;
	_ =	strace $0x80000048  }
0xb7: {  	_ =	swait.ge [sflag:s29], $0x1  }
0xb8: {  	[sflag:s29] =	ssyncadd.s32 $0xFFFFFFFF  }
0xb9: {  	_ =	strace $0x90000048  }
0xba: {  	_ =	sfence  }
0xbb: {  	s30 =	sld [smem:$0x0];
	_ =	sdelay $0x2  }
0xbc: {  	s31 =	sshll.u32 s1, $0xD;
	s1 =	sshrl.u32 s1, $0x2  }
0xbd: {  	s3 =	sand.u32 $0x4000, s31;
	s1 =	sadd.s32 s1, s30  }
0xbe: {  	s0 =	sor.u32 s3, s0;
	s1 =	sshll.u32 s1, $0x11  }
0xbf: {  	s0 =	sor.u32 s1, s0  }
0xc0: {  	s0 =	sadd.s32 $0x8F2B, s0  }
0xc1: {  	[sflag:s0] =	ssyncadd.remote.s32 $0x1  }
0xc2: {  	_ =	sfence.sel $0xFFFF  }
0xc3: {  	[dreg:$0x0] =	wrdreg $0xFFFFFFFF;
	(pc) =	sbr.abs _section_cstart, $3  }
0xc4: {  	[dreg:$0x1] =	wrdreg $0xFFFFFFFF  }
0xc5: {  	_ =	task.clear_ibuf [dreg:s9], $0x2FFFF;
	_ =	strace $0x9FFFFFFF  }
0xc6: {  	(tm) =	ssettm $0x7FFFFFFF  }
0xc7: {  	_ =	shalt  }
tec
execute0_lowered:
.L_overlay_start_1:
0x0: {  	(tag) =	ssettag $0x1  }
0x1: {  	s7 =	rddreg [dreg:$0x0]  }
0x2: {  	s8 =	rddreg [dreg:$0x1]  }
0x3: {  	s1 =	rddreg [dreg:$0x2]  }
0x4: {  	s9 =	rddreg [dreg:$0x3]  }
0x5: {  	s0 =	rddreg [dreg:$0x4];
	s2 =	simm.s32 $0x0;
	s5 =	srdreg.scid  }
0x6: {  	s3 =	stileid.u32;
	s13 =	simm.s32 $0x4400;
	s14 =	simm.s32 $0x4600  }
0x7: {  	s15 =	simm.s32 $0x3;
	s16 =	simm.s32 $0x4;
	s17 =	simm.s32 $0x1  }
0x8: {  	s18 =	simm.s32 $0x2;
	s19 =	simm.s32 $0x400;
	s20 =	simm.s32 $0x2400  }
0x9: {  	s21 =	simm.s32 $0x4800;
	s22 =	simm.s32 $0x0;
	[smem:$0x7FF] =	sst s2  }
0xa: {  	s4 =	sadd.s32 $0x21C00, s1;
	s5 =	sand.u32 $0x1, s5;
	s6 =	sshll.u32 s3, $0x7  }
.Ltmp0:
0xb: {  	_ =	strace $0x80000047;
	s10 =	ssub.s32 $0x2, s5;
	(pc) =	sbr.rel .LBB2_1-.Ltmp0, $4  }
0xc: {  	s11 =	sshll.u32 s5, $0x6;
	s5 =	sadd.s32 $0x1A8600, s1;
	s12 =	sshrl.u32 s10, $0x1  }
0xd: {  	s11 =	sor.u32 s11, s6;
	s6 =	sadd.s32 $0x3200, s1;
	s10 =	ssub.s32 s10, s12  }
0xe: {  	v0 =	vlaneseq.u32;
	s7 =	sadd.s32 s7, s11;
	s8 =	sadd.s32 s8, s11;
	s9 =	sadd.s32 s9, s11  }
0xf: {  	v0 =	vmul.u32 $0x80, v0;
	s11 =	simm.s32 $0x5;
	s12 =	simm.s32 $0x200;
	s10 =	smax.u32 s10, $0x1  }
.LBB2_6:
0x10: {  	s22 =	sadd.s32 $0x1, s22  }
0x11: {  	p0 =	sne.s32 s22, s10  }
.Ltmp1:
0x12: {  	_ = 	snop;
	(pc) =	sbr.rel @!p0 .LBB2_7-.Ltmp1, $4  }
0x13: {  	[hbm4b:s9+s2] =	stream.linear.scatter [tilespmem:s21], [sflag:$0x5], $0x200, $0x38;
	[tilespmem:$0x4A00] =	vst v63  }
0x14: {  	_ =	swait.ge [sflag:s11], $0x200  }
0x15: {  	[sflag:s11] =	ssyncset.done $0x0  }
0x16: {  	[sflag:s11] =	ssyncadd.s32 $0xFFFFFE00  }
.LBB2_1:
0x17: {  	[tilespmem:s2], [sflag:$0x5] =	stream.linear.gather [hbm4b:s7+s2], $0x200, $0x38;
	[tilespmem:$0x4A00] =	vst v63  }
0x18: {  	_ =	swait.ge [sflag:s11], $0x200  }
0x19: {  	[sflag:s11] =	ssyncset.done $0x0  }
0x1a: {  	[sflag:s11] =	ssyncadd.s32 $0xFFFFFE00  }
0x1b: {  	[tilespmem:s12], [sflag:$0x5] =	stream.linear.gather [hbm4b:s8+s2], $0x200, $0x38;
	[tilespmem:$0x4A00] =	vst v63  }
0x1c: {  	_ =	swait.ge [sflag:s11], $0x200  }
0x1d: {  	[sflag:s11] =	ssyncset.done $0x0  }
0x1e: {  	[sflag:s11] =	ssyncadd.s32 $0xFFFFFE00  }
0x1f: {  	[tilespmem:s13], [sflag:$0x3] =	stream.indirect.gather [hbm4b:s1+s12], $0x1, s2, s12, $0xb8;
	[tilespmem:$0x4A00] =	vst v63  }
0x20: {  	_ = 	snop  }
0x21: {  	[tilespmem:s14], [sflag:$0x4] =	stream.indirect.gather [hbm4b:s6+s12], $0x1, s12, s12, $0xb8;
	[tilespmem:$0x4A00] =	vst v63  }
0x22: {  	_ =	swait.ge [sflag:s15], $0x200  }
.Ltmp2:
0x23: {  	[sflag:s15] =	ssyncset.done $0x0;
	(pc) =	sbr.rel .LBB2_2-.Ltmp2, $4  }
0x24: {  	[sflag:s15] =	ssyncadd.s32 $0xFFFFFE00  }
0x25: {  	_ =	swait.ge [sflag:s16], $0x200  }
0x26: {  	s23 =	simm.s32 $0xFFFFFFD0;
	s24 =	simm.s32 $0xFFFFFF40;
	[sflag:s16] =	ssyncset.done $0x0  }
0x27: {  	s25 =	simm.s32 $0x0;
	s26 =	simm.s32 $0x0;
	[sflag:s16] =	ssyncadd.s32 $0xFFFFFE00  }
.LBB2_4:
0x28: {  	_ =	swait.ge [sflag:s17], $0x800;
	s29 =	sand.u32 $0x30, s23  }
0x29: {  	[sflag:s17] =	ssyncset.done $0x0;
	v1 =	vmov s29  }
0x2a: {  	[sflag:s17] =	ssyncadd.s32 $0xFFFFF800;
	v1 =	vshll.u32 v1, $0x7  }
0x2b: {  	_ =	swait.ge [sflag:s18], $0x800;
	v1 =	vor.u32 v0, v1  }
0x2c: {  	[sflag:s18] =	ssyncset.done $0x0  }
0x2d: {  	v2 =	vor.u32 $0x1, v1;
	[sflag:s18] =	ssyncadd.s32 $0xFFFFF800  }
0x2e: {  	v3 =	vld [tilespmem:s28+$0x4400]  }
0x2f: {  	v5 =	vor.u32 $0x2, v1;
	v4 =	vld [tilespmem:s28+$0x4600]  }
0x30: {  	v6 =	vld.idx.msk [tilespmem:v1+s19+$0x0], $0xffff  }
0x31: {  	v8 =	vor.u32 $0x3, v1;
	v7 =	vld.idx.msk [tilespmem:v1+s20+$0x0], $0xffff  }
0x32: {  	v9 =	vld.idx.msk [tilespmem:v2+s19+$0x0], $0xffff  }
0x33: {  	v10 =	vor.u32 $0x4, v1;
	v2 =	vld.idx.msk [tilespmem:v2+s20+$0x0], $0xffff  }
0x34: {  	v11 =	vld.idx.msk [tilespmem:v5+s19+$0x0], $0xffff  }
0x35: {  	v12 =	vor.u32 $0x5, v1;
	v5 =	vld.idx.msk [tilespmem:v5+s20+$0x0], $0xffff  }
0x36: {  	v30 =	vld.idx.msk [tilespmem:v8+s19+$0x0], $0xffff;
	v3 =	vadd.f32 v4, v3;
	v29 =	vmul.f32 v7, v6  }
0x37: {  	v32 =	vor.u32 $0x6, v1;
	v31 =	vld.idx.msk [tilespmem:v8+s20+$0x0], $0xffff  }
0x38: {  	v33 =	vld.idx.msk [tilespmem:v10+s19+$0x0], $0xffff;
	v2 =	vmul.f32 v2, v9;
	v3 =	vadd.f32 v29, v3  }
0x39: {  	v35 =	vor.u32 $0x7, v1;
	v34 =	vld.idx.msk [tilespmem:v10+s20+$0x0], $0xffff  }
0x3a: {  	v36 =	vld.idx.msk [tilespmem:v12+s19+$0x0], $0xffff;
	v2 =	vadd.f32 v2, v3;
	v3 =	vmul.f32 v5, v11  }
0x3b: {  	v38 =	vor.u32 $0x8, v1;
	v37 =	vld.idx.msk [tilespmem:v12+s20+$0x0], $0xffff  }
0x3c: {  	v39 =	vld.idx.msk [tilespmem:v32+s19+$0x0], $0xffff;
	v2 =	vadd.f32 v3, v2;
	v3 =	vmul.f32 v31, v30  }
0x3d: {  	v41 =	vor.u32 $0x9, v1;
	v40 =	vld.idx.msk [tilespmem:v32+s20+$0x0], $0xffff  }
0x3e: {  	v42 =	vld.idx.msk [tilespmem:v35+s19+$0x0], $0xffff;
	v2 =	vadd.f32 v3, v2;
	v3 =	vmul.f32 v34, v33  }
0x3f: {  	v44 =	vor.u32 $0xA, v1;
	v43 =	vld.idx.msk [tilespmem:v35+s20+$0x0], $0xffff  }
0x40: {  	v45 =	vld.idx.msk [tilespmem:v38+s19+$0x0], $0xffff;
	v2 =	vadd.f32 v3, v2;
	v3 =	vmul.f32 v37, v36  }
0x41: {  	v47 =	vor.u32 $0xB, v1;
	v46 =	vld.idx.msk [tilespmem:v38+s20+$0x0], $0xffff  }
0x42: {  	v48 =	vld.idx.msk [tilespmem:v41+s19+$0x0], $0xffff;
	v2 =	vadd.f32 v3, v2;
	v3 =	vmul.f32 v40, v39  }
0x43: {  	v50 =	vor.u32 $0xC, v1;
	v49 =	vld.idx.msk [tilespmem:v41+s20+$0x0], $0xffff  }
0x44: {  	v51 =	vld.idx.msk [tilespmem:v44+s19+$0x0], $0xffff;
	v2 =	vadd.f32 v3, v2;
	v3 =	vmul.f32 v43, v42  }
0x45: {  	v53 =	vor.u32 $0xD, v1;
	v52 =	vld.idx.msk [tilespmem:v44+s20+$0x0], $0xffff  }
0x46: {  	v54 =	vld.idx.msk [tilespmem:v47+s19+$0x0], $0xffff;
	v2 =	vadd.f32 v3, v2;
	v3 =	vmul.f32 v46, v45  }
0x47: {  	v56 =	vor.u32 $0xE, v1;
	v55 =	vld.idx.msk [tilespmem:v47+s20+$0x0], $0xffff  }
0x48: {  	v57 =	vld.idx.msk [tilespmem:v50+s19+$0x0], $0xffff;
	v2 =	vadd.f32 v3, v2;
	v3 =	vmul.f32 v49, v48  }
0x49: {  	v59 =	vor.u32 $0xF, v1;
	v58 =	vld.idx.msk [tilespmem:v50+s20+$0x0], $0xffff  }
0x4a: {  	v60 =	vld.idx.msk [tilespmem:v53+s19+$0x0], $0xffff;
	v2 =	vadd.f32 v3, v2;
	v3 =	vmul.f32 v52, v51  }
0x4b: {  	v62 =	vor.u32 $0x10, v1;
	v61 =	vld.idx.msk [tilespmem:v53+s20+$0x0], $0xffff  }
0x4c: {  	v63 =	vld.idx.msk [tilespmem:v56+s19+$0x0], $0xffff;
	v2 =	vadd.f32 v3, v2;
	v3 =	vmul.f32 v55, v54  }
0x4d: {  	v17 =	vor.u32 $0x11, v1;
	v16 =	vld.idx.msk [tilespmem:v56+s20+$0x0], $0xffff  }
0x4e: {  	v18 =	vld.idx.msk [tilespmem:v59+s19+$0x0], $0xffff;
	v2 =	vadd.f32 v3, v2;
	v3 =	vmul.f32 v58, v57  }
0x4f: {  	v20 =	vor.u32 $0x12, v1;
	v19 =	vld.idx.msk [tilespmem:v59+s20+$0x0], $0xffff  }
0x50: {  	v21 =	vld.idx.msk [tilespmem:v62+s19+$0x0], $0xffff;
	v2 =	vadd.f32 v3, v2;
	v3 =	vmul.f32 v61, v60  }
0x51: {  	v23 =	vor.u32 $0x13, v1;
	v22 =	vld.idx.msk [tilespmem:v62+s20+$0x0], $0xffff  }
0x52: {  	v24 =	vld.idx.msk [tilespmem:v17+s19+$0x0], $0xffff;
	v2 =	vadd.f32 v3, v2;
	v3 =	vmul.f32 v16, v63  }
0x53: {  	v26 =	vor.u32 $0x14, v1;
	v25 =	vld.idx.msk [tilespmem:v17+s20+$0x0], $0xffff  }
0x54: {  	v27 =	vld.idx.msk [tilespmem:v20+s19+$0x0], $0xffff;
	v2 =	vadd.f32 v3, v2;
	v3 =	vmul.f32 v19, v18  }
0x55: {  	v28 =	vld.idx.msk [tilespmem:v20+s20+$0x0], $0xffff;
	v29 =	vor.u32 $0x15, v1  }
0x56: {  	v30 =	vld.idx.msk [tilespmem:v23+s19+$0x0], $0xffff;
	v2 =	vadd.f32 v3, v2;
	v3 =	vmul.f32 v22, v21  }
0x57: {  	v32 =	vor.u32 $0x16, v1;
	v31 =	vld.idx.msk [tilespmem:v23+s20+$0x0], $0xffff  }
0x58: {  	v33 =	vld.idx.msk [tilespmem:v26+s19+$0x0], $0xffff;
	v2 =	vadd.f32 v3, v2;
	v3 =	vmul.f32 v25, v24  }
0x59: {  	v35 =	vor.u32 $0x17, v1;
	v34 =	vld.idx.msk [tilespmem:v26+s20+$0x0], $0xffff  }
0x5a: {  	v36 =	vld.idx.msk [tilespmem:v29+s19+$0x0], $0xffff;
	v2 =	vadd.f32 v3, v2;
	v3 =	vmul.f32 v28, v27  }
0x5b: {  	v38 =	vor.u32 $0x18, v1;
	v37 =	vld.idx.msk [tilespmem:v29+s20+$0x0], $0xffff  }
0x5c: {  	v39 =	vld.idx.msk [tilespmem:v32+s19+$0x0], $0xffff;
	v2 =	vadd.f32 v3, v2;
	v3 =	vmul.f32 v31, v30  }
0x5d: {  	v41 =	vor.u32 $0x19, v1;
	v40 =	vld.idx.msk [tilespmem:v32+s20+$0x0], $0xffff  }
0x5e: {  	v42 =	vld.idx.msk [tilespmem:v35+s19+$0x0], $0xffff;
	v2 =	vadd.f32 v3, v2;
	v3 =	vmul.f32 v34, v33  }
0x5f: {  	v44 =	vor.u32 $0x1A, v1;
	v43 =	vld.idx.msk [tilespmem:v35+s20+$0x0], $0xffff  }
0x60: {  	v45 =	vld.idx.msk [tilespmem:v38+s19+$0x0], $0xffff;
	v2 =	vadd.f32 v3, v2;
	v3 =	vmul.f32 v37, v36  }
0x61: {  	v47 =	vor.u32 $0x1B, v1;
	v46 =	vld.idx.msk [tilespmem:v38+s20+$0x0], $0xffff  }
0x62: {  	v48 =	vld.idx.msk [tilespmem:v41+s19+$0x0], $0xffff;
	v2 =	vadd.f32 v3, v2;
	v3 =	vmul.f32 v40, v39  }
0x63: {  	v50 =	vor.u32 $0x1C, v1;
	v49 =	vld.idx.msk [tilespmem:v41+s20+$0x0], $0xffff  }
0x64: {  	v51 =	vld.idx.msk [tilespmem:v44+s19+$0x0], $0xffff;
	v2 =	vadd.f32 v3, v2;
	v3 =	vmul.f32 v43, v42  }
0x65: {  	v53 =	vor.u32 $0x1D, v1;
	v52 =	vld.idx.msk [tilespmem:v44+s20+$0x0], $0xffff  }
0x66: {  	v54 =	vld.idx.msk [tilespmem:v47+s19+$0x0], $0xffff;
	v2 =	vadd.f32 v3, v2;
	v3 =	vmul.f32 v46, v45  }
0x67: {  	v56 =	vor.u32 $0x1E, v1;
	v55 =	vld.idx.msk [tilespmem:v47+s20+$0x0], $0xffff  }
0x68: {  	v57 =	vld.idx.msk [tilespmem:v50+s19+$0x0], $0xffff;
	v2 =	vadd.f32 v3, v2;
	v3 =	vmul.f32 v49, v48  }
0x69: {  	v59 =	vor.u32 $0x1F, v1;
	v58 =	vld.idx.msk [tilespmem:v50+s20+$0x0], $0xffff  }
0x6a: {  	v60 =	vld.idx.msk [tilespmem:v53+s19+$0x0], $0xffff;
	v2 =	vadd.f32 v3, v2;
	v3 =	vmul.f32 v52, v51  }
0x6b: {  	v62 =	vor.u32 $0x20, v1;
	v61 =	vld.idx.msk [tilespmem:v53+s20+$0x0], $0xffff  }
0x6c: {  	v63 =	vld.idx.msk [tilespmem:v56+s19+$0x0], $0xffff;
	v2 =	vadd.f32 v3, v2;
	v3 =	vmul.f32 v55, v54  }
0x6d: {  	v17 =	vor.u32 $0x21, v1;
	v16 =	vld.idx.msk [tilespmem:v56+s20+$0x0], $0xffff  }
0x6e: {  	v18 =	vld.idx.msk [tilespmem:v59+s19+$0x0], $0xffff;
	v2 =	vadd.f32 v3, v2;
	v3 =	vmul.f32 v58, v57  }
0x6f: {  	v20 =	vor.u32 $0x22, v1;
	v19 =	vld.idx.msk [tilespmem:v59+s20+$0x0], $0xffff  }
0x70: {  	v21 =	vld.idx.msk [tilespmem:v62+s19+$0x0], $0xffff;
	v2 =	vadd.f32 v3, v2;
	v3 =	vmul.f32 v61, v60  }
0x71: {  	v23 =	vor.u32 $0x23, v1;
	v22 =	vld.idx.msk [tilespmem:v62+s20+$0x0], $0xffff  }
0x72: {  	v24 =	vld.idx.msk [tilespmem:v17+s19+$0x0], $0xffff;
	v2 =	vadd.f32 v3, v2;
	v3 =	vmul.f32 v16, v63  }
0x73: {  	v26 =	vor.u32 $0x24, v1;
	v25 =	vld.idx.msk [tilespmem:v17+s20+$0x0], $0xffff  }
0x74: {  	v27 =	vld.idx.msk [tilespmem:v20+s19+$0x0], $0xffff;
	v2 =	vadd.f32 v3, v2;
	v3 =	vmul.f32 v19, v18  }
0x75: {  	v29 =	vor.u32 $0x25, v1;
	v28 =	vld.idx.msk [tilespmem:v20+s20+$0x0], $0xffff  }
0x76: {  	v30 =	vld.idx.msk [tilespmem:v23+s19+$0x0], $0xffff;
	v2 =	vadd.f32 v3, v2;
	v3 =	vmul.f32 v22, v21  }
0x77: {  	v32 =	vor.u32 $0x26, v1;
	v31 =	vld.idx.msk [tilespmem:v23+s20+$0x0], $0xffff  }
0x78: {  	v33 =	vld.idx.msk [tilespmem:v26+s19+$0x0], $0xffff;
	v2 =	vadd.f32 v3, v2;
	v3 =	vmul.f32 v25, v24  }
0x79: {  	v35 =	vor.u32 $0x27, v1;
	v34 =	vld.idx.msk [tilespmem:v26+s20+$0x0], $0xffff  }
0x7a: {  	v36 =	vld.idx.msk [tilespmem:v29+s19+$0x0], $0xffff;
	v2 =	vadd.f32 v3, v2;
	v3 =	vmul.f32 v28, v27  }
0x7b: {  	v38 =	vor.u32 $0x28, v1;
	v37 =	vld.idx.msk [tilespmem:v29+s20+$0x0], $0xffff  }
0x7c: {  	v39 =	vld.idx.msk [tilespmem:v32+s19+$0x0], $0xffff;
	v2 =	vadd.f32 v3, v2;
	v3 =	vmul.f32 v31, v30  }
0x7d: {  	v41 =	vor.u32 $0x29, v1;
	v40 =	vld.idx.msk [tilespmem:v32+s20+$0x0], $0xffff  }
0x7e: {  	v42 =	vld.idx.msk [tilespmem:v35+s19+$0x0], $0xffff;
	v2 =	vadd.f32 v3, v2;
	v3 =	vmul.f32 v34, v33  }
0x7f: {  	v44 =	vor.u32 $0x2A, v1;
	v43 =	vld.idx.msk [tilespmem:v35+s20+$0x0], $0xffff  }
0x80: {  	v45 =	vld.idx.msk [tilespmem:v38+s19+$0x0], $0xffff;
	v2 =	vadd.f32 v3, v2;
	v3 =	vmul.f32 v37, v36  }
0x81: {  	v47 =	vor.u32 $0x2B, v1;
	v46 =	vld.idx.msk [tilespmem:v38+s20+$0x0], $0xffff  }
0x82: {  	v48 =	vld.idx.msk [tilespmem:v41+s19+$0x0], $0xffff;
	v2 =	vadd.f32 v3, v2;
	v3 =	vmul.f32 v40, v39  }
0x83: {  	v50 =	vor.u32 $0x2C, v1;
	v49 =	vld.idx.msk [tilespmem:v41+s20+$0x0], $0xffff  }
0x84: {  	v51 =	vld.idx.msk [tilespmem:v44+s19+$0x0], $0xffff;
	v2 =	vadd.f32 v3, v2;
	v3 =	vmul.f32 v43, v42  }
0x85: {  	v53 =	vor.u32 $0x2D, v1;
	v52 =	vld.idx.msk [tilespmem:v44+s20+$0x0], $0xffff  }
0x86: {  	v54 =	vld.idx.msk [tilespmem:v47+s19+$0x0], $0xffff;
	v2 =	vadd.f32 v3, v2;
	v3 =	vmul.f32 v46, v45  }
0x87: {  	v56 =	vor.u32 $0x2E, v1;
	v55 =	vld.idx.msk [tilespmem:v47+s20+$0x0], $0xffff  }
0x88: {  	v57 =	vld.idx.msk [tilespmem:v50+s19+$0x0], $0xffff;
	v2 =	vadd.f32 v3, v2;
	v3 =	vmul.f32 v49, v48  }
0x89: {  	v59 =	vor.u32 $0x2F, v1;
	v58 =	vld.idx.msk [tilespmem:v50+s20+$0x0], $0xffff  }
0x8a: {  	v60 =	vld.idx.msk [tilespmem:v53+s19+$0x0], $0xffff;
	v2 =	vadd.f32 v3, v2;
	v3 =	vmul.f32 v52, v51  }
0x8b: {  	v62 =	vor.u32 $0x30, v1;
	v61 =	vld.idx.msk [tilespmem:v53+s20+$0x0], $0xffff  }
0x8c: {  	v63 =	vld.idx.msk [tilespmem:v56+s19+$0x0], $0xffff;
	v2 =	vadd.f32 v3, v2;
	v3 =	vmul.f32 v55, v54  }
0x8d: {  	v17 =	vor.u32 $0x31, v1;
	v16 =	vld.idx.msk [tilespmem:v56+s20+$0x0], $0xffff  }
0x8e: {  	v18 =	vld.idx.msk [tilespmem:v59+s19+$0x0], $0xffff;
	v2 =	vadd.f32 v3, v2;
	v3 =	vmul.f32 v58, v57  }
0x8f: {  	v20 =	vor.u32 $0x32, v1;
	v19 =	vld.idx.msk [tilespmem:v59+s20+$0x0], $0xffff  }
0x90: {  	v21 =	vld.idx.msk [tilespmem:v62+s19+$0x0], $0xffff;
	v2 =	vadd.f32 v3, v2;
	v3 =	vmul.f32 v61, v60  }
0x91: {  	v23 =	vor.u32 $0x33, v1;
	v22 =	vld.idx.msk [tilespmem:v62+s20+$0x0], $0xffff  }
0x92: {  	v24 =	vld.idx.msk [tilespmem:v17+s19+$0x0], $0xffff;
	v2 =	vadd.f32 v3, v2;
	v3 =	vmul.f32 v16, v63  }
0x93: {  	v26 =	vor.u32 $0x34, v1;
	v25 =	vld.idx.msk [tilespmem:v17+s20+$0x0], $0xffff  }
0x94: {  	v27 =	vld.idx.msk [tilespmem:v20+s19+$0x0], $0xffff;
	v2 =	vadd.f32 v3, v2;
	v3 =	vmul.f32 v19, v18  }
0x95: {  	v29 =	vor.u32 $0x35, v1;
	v28 =	vld.idx.msk [tilespmem:v20+s20+$0x0], $0xffff  }
0x96: {  	v30 =	vld.idx.msk [tilespmem:v23+s19+$0x0], $0xffff;
	v2 =	vadd.f32 v3, v2;
	v3 =	vmul.f32 v22, v21  }
0x97: {  	v32 =	vor.u32 $0x36, v1;
	v31 =	vld.idx.msk [tilespmem:v23+s20+$0x0], $0xffff  }
0x98: {  	v33 =	vld.idx.msk [tilespmem:v26+s19+$0x0], $0xffff;
	v2 =	vadd.f32 v3, v2;
	v3 =	vmul.f32 v25, v24  }
0x99: {  	v35 =	vor.u32 $0x37, v1;
	v34 =	vld.idx.msk [tilespmem:v26+s20+$0x0], $0xffff  }
0x9a: {  	v36 =	vld.idx.msk [tilespmem:v29+s19+$0x0], $0xffff;
	v2 =	vadd.f32 v3, v2;
	v3 =	vmul.f32 v28, v27  }
0x9b: {  	v38 =	vor.u32 $0x38, v1;
	v37 =	vld.idx.msk [tilespmem:v29+s20+$0x0], $0xffff  }
0x9c: {  	v39 =	vld.idx.msk [tilespmem:v32+s19+$0x0], $0xffff;
	v2 =	vadd.f32 v3, v2;
	v3 =	vmul.f32 v31, v30  }
0x9d: {  	v41 =	vor.u32 $0x39, v1;
	v40 =	vld.idx.msk [tilespmem:v32+s20+$0x0], $0xffff  }
0x9e: {  	v42 =	vld.idx.msk [tilespmem:v35+s19+$0x0], $0xffff;
	v2 =	vadd.f32 v3, v2;
	v3 =	vmul.f32 v34, v33  }
0x9f: {  	v44 =	vor.u32 $0x3A, v1;
	v43 =	vld.idx.msk [tilespmem:v35+s20+$0x0], $0xffff  }
0xa0: {  	v45 =	vld.idx.msk [tilespmem:v38+s19+$0x0], $0xffff;
	v2 =	vadd.f32 v3, v2;
	v3 =	vmul.f32 v37, v36  }
0xa1: {  	v47 =	vor.u32 $0x3B, v1;
	v46 =	vld.idx.msk [tilespmem:v38+s20+$0x0], $0xffff  }
0xa2: {  	v48 =	vld.idx.msk [tilespmem:v41+s19+$0x0], $0xffff;
	v2 =	vadd.f32 v3, v2;
	v3 =	vmul.f32 v40, v39  }
0xa3: {  	v50 =	vor.u32 $0x3C, v1;
	v49 =	vld.idx.msk [tilespmem:v41+s20+$0x0], $0xffff  }
0xa4: {  	v51 =	vld.idx.msk [tilespmem:v44+s19+$0x0], $0xffff;
	v2 =	vadd.f32 v3, v2;
	v3 =	vmul.f32 v43, v42  }
0xa5: {  	v53 =	vor.u32 $0x3D, v1;
	v52 =	vld.idx.msk [tilespmem:v44+s20+$0x0], $0xffff  }
0xa6: {  	v54 =	vld.idx.msk [tilespmem:v47+s19+$0x0], $0xffff;
	v2 =	vadd.f32 v3, v2;
	v3 =	vmul.f32 v46, v45  }
0xa7: {  	v56 =	vor.u32 $0x3E, v1;
	v55 =	vld.idx.msk [tilespmem:v47+s20+$0x0], $0xffff  }
0xa8: {  	v57 =	vld.idx.msk [tilespmem:v50+s19+$0x0], $0xffff;
	v2 =	vadd.f32 v3, v2;
	v3 =	vmul.f32 v49, v48  }
0xa9: {  	v1 =	vor.u32 $0x3F, v1;
	v58 =	vld.idx.msk [tilespmem:v50+s20+$0x0], $0xffff  }
0xaa: {  	v59 =	vld.idx.msk [tilespmem:v53+s19+$0x0], $0xffff;
	v2 =	vadd.f32 v3, v2;
	v3 =	vmul.f32 v52, v51  }
0xab: {  	v60 =	vld.idx.msk [tilespmem:v53+s20+$0x0], $0xffff  }
0xac: {  	v62 =	vld.idx.msk [tilespmem:v56+s20+$0x0], $0xffff;
	v2 =	vadd.f32 v3, v2;
	v3 =	vmul.f32 v55, v54  }
0xad: {  	v61 =	vld.idx.msk [tilespmem:v56+s19+$0x0], $0xffff  }
0xae: {  	v63 =	vld.idx.msk [tilespmem:v1+s19+$0x0], $0xffff;
	v2 =	vadd.f32 v3, v2;
	v3 =	vmul.f32 v58, v57  }
0xaf: {  	v1 =	vld.idx.msk [tilespmem:v1+s20+$0x0], $0xffff  }
0xb0: {  	v2 =	vadd.f32 v3, v2;
	v3 =	vmul.f32 v60, v59;
	_ =	sdelay $0x1  }
0xb1: {  	v2 =	vadd.f32 v3, v2;
	v3 =	vmul.f32 v62, v61;
	_ =	sdelay $0x1  }
0xb2: {  	v1 =	vmul.f32 v1, v63;
	v2 =	vadd.f32 v3, v2;
	_ =	sdelay $0x1  }
0xb3: {  	v1 =	vadd.f32 v1, v2;
	_ =	sdelay $0x1  }
0xb4: {  	[tilespmem:s28+$0x4800] =	vst v1  }
.LBB2_5:
0xb5: {  	s24 =	sadd.s32 $0x40, s24  }
0xb6: {  	p0 =	sne.s32 s24, $0x800  }
.Ltmp3:
0xb7: {  	_ = 	snop;
	(pc) =	sbr.rel @!p0 .LBB2_6-.Ltmp3, $2  }
0xb8: {  	_ =	sdelay $0x2  }
0xb9: {  	s26 =	sadd.s32 $0x1, s26;
	s23 =	sadd.s32 $0x10, s23;
	s25 =	sadd.s32 $0x800, s25  }
.LBB2_2:
0xba: {  	p0 =	sgt.u32 s26, $0x1F  }
.Ltmp4:
0xbb: {  	_ = 	snop;
	(pc) =	sbr.rel @p0 .LBB2_4-.Ltmp4, $2  }
0xbc: {  	_ =	sdelay $0x2  }
0xbd: {  	s28 =	sshra.s32 s24, $0x2  }
0xbe: {  	v1 =	vld [tilespmem:s28+$0x30];
	_ =	sdelay $0x3  }
0xbf: {  	v3 =	vld [tilespmem:s28+$0x230]  }
0xc0: {  	v2 =	vshll.u32 v1, $0x4  }
0xc1: {  	(v2sf) =	vpush v2, $0x0;
	_ =	sdelay $0x2  }
0xc2: {  	v1 =	vshll.u32 v3, $0x4  }
0xc3: {  	(v2sf) =	vpush v1, $0x0;
	_ =	sdelay $0x3  }
0xc4: {  	(v2sf) =	vpush v2, $0x1;
	_ =	sdelay $0x3  }
0xc5: {  	(v2sf) =	vpush v1, $0x1;
	_ =	sdelay $0x2  }
0xc6: {  	s30 =	spop (v2sf)  }
0xc7: {  	s29 =	sand.u32 $0x1800, s25;
	(v2sf) =	vpush v2, $0x2;
	s30 =	sand.u32 $0x1FFFFFF0, s30  }
0xc8: {  	s31 =	sor.u32 $0x400, s29;
	s30 =	sadd.s32 s4, s30  }
0xc9: {  	[tilespmem:s31], [sflag:$0x1] =	stream.linear.gather [hbm4b:s30+s2], $0x80, $0x38;
	[tilespmem:$0x4A00] =	vst v63  }
0xca: {  	s31 =	spop (v2sf)  }
0xcb: {  	(v2sf) =	vpush v1, $0x2;
	s30 =	sand.u32 $0x1FFFFFF0, s31  }
0xcc: {  	s31 =	sor.u32 $0x2400, s29;
	s30 =	sadd.s32 s5, s30  }
0xcd: {  	[tilespmem:s31], [sflag:$0x2] =	stream.linear.gather [hbm4b:s30+s2], $0x80, $0x38;
	[tilespmem:$0x4A00] =	vst v63  }
0xce: {  	s31 =	spop (v2sf)  }
0xcf: {  	(v2sf) =	vpush v2, $0x3;
	s30 =	sand.u32 $0x1FFFFFF0, s31  }
0xd0: {  	s31 =	sor.u32 $0x480, s29;
	s30 =	sadd.s32 s4, s30  }
0xd1: {  	[tilespmem:s31], [sflag:$0x1] =	stream.linear.gather [hbm4b:s30+s2], $0x80, $0x38;
	[tilespmem:$0x4A00] =	vst v63  }
0xd2: {  	s31 =	spop (v2sf)  }
0xd3: {  	(v2sf) =	vpush v1, $0x3;
	s30 =	sand.u32 $0x1FFFFFF0, s31  }
0xd4: {  	s31 =	sor.u32 $0x2480, s29;
	s30 =	sadd.s32 s5, s30  }
0xd5: {  	[tilespmem:s31], [sflag:$0x2] =	stream.linear.gather [hbm4b:s30+s2], $0x80, $0x38;
	[tilespmem:$0x4A00] =	vst v63  }
0xd6: {  	s31 =	spop (v2sf)  }
0xd7: {  	(v2sf) =	vpush v2, $0x4;
	s30 =	sand.u32 $0x1FFFFFF0, s31  }
0xd8: {  	s31 =	sor.u32 $0x500, s29;
	s30 =	sadd.s32 s4, s30  }
0xd9: {  	[tilespmem:s31], [sflag:$0x1] =	stream.linear.gather [hbm4b:s30+s2], $0x80, $0x38;
	[tilespmem:$0x4A00] =	vst v63  }
0xda: {  	s31 =	spop (v2sf)  }
0xdb: {  	(v2sf) =	vpush v1, $0x4;
	s30 =	sand.u32 $0x1FFFFFF0, s31  }
0xdc: {  	s31 =	sor.u32 $0x2500, s29;
	s30 =	sadd.s32 s5, s30  }
0xdd: {  	[tilespmem:s31], [sflag:$0x2] =	stream.linear.gather [hbm4b:s30+s2], $0x80, $0x38;
	[tilespmem:$0x4A00] =	vst v63  }
0xde: {  	s31 =	spop (v2sf)  }
0xdf: {  	(v2sf) =	vpush v2, $0x5;
	s30 =	sand.u32 $0x1FFFFFF0, s31  }
0xe0: {  	s31 =	sor.u32 $0x580, s29;
	s30 =	sadd.s32 s4, s30  }
0xe1: {  	[tilespmem:s31], [sflag:$0x1] =	stream.linear.gather [hbm4b:s30+s2], $0x80, $0x38;
	[tilespmem:$0x4A00] =	vst v63  }
0xe2: {  	s31 =	spop (v2sf)  }
0xe3: {  	(v2sf) =	vpush v1, $0x5;
	s30 =	sand.u32 $0x1FFFFFF0, s31  }
0xe4: {  	s31 =	sor.u32 $0x2580, s29;
	s30 =	sadd.s32 s5, s30  }
0xe5: {  	[tilespmem:s31], [sflag:$0x2] =	stream.linear.gather [hbm4b:s30+s2], $0x80, $0x38;
	[tilespmem:$0x4A00] =	vst v63  }
0xe6: {  	s31 =	spop (v2sf)  }
0xe7: {  	(v2sf) =	vpush v2, $0x6;
	s30 =	sand.u32 $0x1FFFFFF0, s31  }
0xe8: {  	s31 =	sor.u32 $0x600, s29;
	s30 =	sadd.s32 s4, s30  }
0xe9: {  	[tilespmem:s31], [sflag:$0x1] =	stream.linear.gather [hbm4b:s30+s2], $0x80, $0x38;
	[tilespmem:$0x4A00] =	vst v63  }
0xea: {  	s31 =	spop (v2sf)  }
0xeb: {  	(v2sf) =	vpush v1, $0x6;
	s30 =	sand.u32 $0x1FFFFFF0, s31  }
0xec: {  	s31 =	sor.u32 $0x2600, s29;
	s30 =	sadd.s32 s5, s30  }
0xed: {  	[tilespmem:s31], [sflag:$0x2] =	stream.linear.gather [hbm4b:s30+s2], $0x80, $0x38;
	[tilespmem:$0x4A00] =	vst v63  }
0xee: {  	s31 =	spop (v2sf)  }
0xef: {  	(v2sf) =	vpush v2, $0x7;
	s30 =	sand.u32 $0x1FFFFFF0, s31  }
0xf0: {  	s31 =	sor.u32 $0x680, s29;
	s30 =	sadd.s32 s4, s30  }
0xf1: {  	[tilespmem:s31], [sflag:$0x1] =	stream.linear.gather [hbm4b:s30+s2], $0x80, $0x38;
	[tilespmem:$0x4A00] =	vst v63  }
0xf2: {  	s31 =	spop (v2sf)  }
0xf3: {  	(v2sf) =	vpush v1, $0x7;
	s30 =	sand.u32 $0x1FFFFFF0, s31  }
0xf4: {  	s31 =	sor.u32 $0x2680, s29;
	s30 =	sadd.s32 s5, s30  }
0xf5: {  	[tilespmem:s31], [sflag:$0x2] =	stream.linear.gather [hbm4b:s30+s2], $0x80, $0x38;
	[tilespmem:$0x4A00] =	vst v63  }
0xf6: {  	s31 =	spop (v2sf)  }
0xf7: {  	(v2sf) =	vpush v2, $0x8;
	s30 =	sand.u32 $0x1FFFFFF0, s31  }
0xf8: {  	s31 =	sor.u32 $0x700, s29;
	s30 =	sadd.s32 s4, s30  }
0xf9: {  	[tilespmem:s31], [sflag:$0x1] =	stream.linear.gather [hbm4b:s30+s2], $0x80, $0x38;
	[tilespmem:$0x4A00] =	vst v63  }
0xfa: {  	s31 =	spop (v2sf)  }
0xfb: {  	(v2sf) =	vpush v1, $0x8;
	s30 =	sand.u32 $0x1FFFFFF0, s31  }
0xfc: {  	s31 =	sor.u32 $0x2700, s29;
	s30 =	sadd.s32 s5, s30  }
0xfd: {  	[tilespmem:s31], [sflag:$0x2] =	stream.linear.gather [hbm4b:s30+s2], $0x80, $0x38;
	[tilespmem:$0x4A00] =	vst v63  }
0xfe: {  	s31 =	spop (v2sf)  }
0xff: {  	(v2sf) =	vpush v2, $0x9;
	s30 =	sand.u32 $0x1FFFFFF0, s31  }
0x100: {  	s31 =	sor.u32 $0x780, s29;
	s30 =	sadd.s32 s4, s30  }
0x101: {  	[tilespmem:s31], [sflag:$0x1] =	stream.linear.gather [hbm4b:s30+s2], $0x80, $0x38;
	[tilespmem:$0x4A00] =	vst v63  }
0x102: {  	s31 =	spop (v2sf)  }
0x103: {  	(v2sf) =	vpush v1, $0x9;
	s30 =	sand.u32 $0x1FFFFFF0, s31  }
0x104: {  	s31 =	sor.u32 $0x2780, s29;
	s30 =	sadd.s32 s5, s30  }
0x105: {  	[tilespmem:s31], [sflag:$0x2] =	stream.linear.gather [hbm4b:s30+s2], $0x80, $0x38;
	[tilespmem:$0x4A00] =	vst v63  }
0x106: {  	s31 =	spop (v2sf)  }
0x107: {  	(v2sf) =	vpush v2, $0xA;
	s30 =	sand.u32 $0x1FFFFFF0, s31  }
0x108: {  	s31 =	sadd.s32 $0x800, s29;
	s30 =	sadd.s32 s4, s30  }
0x109: {  	[tilespmem:s31], [sflag:$0x1] =	stream.linear.gather [hbm4b:s30+s2], $0x80, $0x38;
	[tilespmem:$0x4A00] =	vst v63  }
0x10a: {  	s31 =	spop (v2sf)  }
0x10b: {  	(v2sf) =	vpush v1, $0xA;
	s30 =	sand.u32 $0x1FFFFFF0, s31  }
0x10c: {  	s31 =	sadd.s32 $0x2800, s29;
	s30 =	sadd.s32 s5, s30  }
0x10d: {  	[tilespmem:s31], [sflag:$0x2] =	stream.linear.gather [hbm4b:s30+s2], $0x80, $0x38;
	[tilespmem:$0x4A00] =	vst v63  }
0x10e: {  	s31 =	spop (v2sf)  }
0x10f: {  	(v2sf) =	vpush v2, $0xB;
	s30 =	sand.u32 $0x1FFFFFF0, s31  }
0x110: {  	s31 =	sadd.s32 $0x880, s29;
	s30 =	sadd.s32 s4, s30  }
0x111: {  	[tilespmem:s31], [sflag:$0x1] =	stream.linear.gather [hbm4b:s30+s2], $0x80, $0x38;
	[tilespmem:$0x4A00] =	vst v63  }
0x112: {  	s31 =	spop (v2sf)  }
0x113: {  	(v2sf) =	vpush v1, $0xB;
	s30 =	sand.u32 $0x1FFFFFF0, s31  }
0x114: {  	s31 =	sadd.s32 $0x2880, s29;
	s30 =	sadd.s32 s5, s30  }
0x115: {  	[tilespmem:s31], [sflag:$0x2] =	stream.linear.gather [hbm4b:s30+s2], $0x80, $0x38;
	[tilespmem:$0x4A00] =	vst v63  }
0x116: {  	s31 =	spop (v2sf)  }
0x117: {  	(v2sf) =	vpush v2, $0xC;
	s30 =	sand.u32 $0x1FFFFFF0, s31  }
0x118: {  	s31 =	sadd.s32 $0x900, s29;
	s30 =	sadd.s32 s4, s30  }
0x119: {  	[tilespmem:s31], [sflag:$0x1] =	stream.linear.gather [hbm4b:s30+s2], $0x80, $0x38;
	[tilespmem:$0x4A00] =	vst v63  }
0x11a: {  	s31 =	spop (v2sf)  }
0x11b: {  	(v2sf) =	vpush v1, $0xC;
	s30 =	sand.u32 $0x1FFFFFF0, s31  }
0x11c: {  	s31 =	sadd.s32 $0x2900, s29;
	s30 =	sadd.s32 s5, s30  }
0x11d: {  	[tilespmem:s31], [sflag:$0x2] =	stream.linear.gather [hbm4b:s30+s2], $0x80, $0x38;
	[tilespmem:$0x4A00] =	vst v63  }
0x11e: {  	s31 =	spop (v2sf)  }
0x11f: {  	(v2sf) =	vpush v2, $0xD;
	s30 =	sand.u32 $0x1FFFFFF0, s31  }
0x120: {  	s31 =	sadd.s32 $0x980, s29;
	s30 =	sadd.s32 s4, s30  }
0x121: {  	[tilespmem:s31], [sflag:$0x1] =	stream.linear.gather [hbm4b:s30+s2], $0x80, $0x38;
	[tilespmem:$0x4A00] =	vst v63  }
0x122: {  	s31 =	spop (v2sf)  }
0x123: {  	(v2sf) =	vpush v1, $0xD;
	s30 =	sand.u32 $0x1FFFFFF0, s31  }
0x124: {  	s31 =	sadd.s32 $0x2980, s29;
	s30 =	sadd.s32 s5, s30  }
0x125: {  	[tilespmem:s31], [sflag:$0x2] =	stream.linear.gather [hbm4b:s30+s2], $0x80, $0x38;
	[tilespmem:$0x4A00] =	vst v63  }
0x126: {  	s31 =	spop (v2sf)  }
0x127: {  	(v2sf) =	vpush v2, $0xE;
	s30 =	sand.u32 $0x1FFFFFF0, s31  }
0x128: {  	s31 =	sadd.s32 $0xA00, s29;
	s30 =	sadd.s32 s4, s30  }
0x129: {  	[tilespmem:s31], [sflag:$0x1] =	stream.linear.gather [hbm4b:s30+s2], $0x80, $0x38;
	[tilespmem:$0x4A00] =	vst v63  }
0x12a: {  	s31 =	spop (v2sf)  }
0x12b: {  	(v2sf) =	vpush v1, $0xE;
	s30 =	sand.u32 $0x1FFFFFF0, s31  }
0x12c: {  	s31 =	sadd.s32 $0x2A00, s29;
	s30 =	sadd.s32 s5, s30  }
0x12d: {  	[tilespmem:s31], [sflag:$0x2] =	stream.linear.gather [hbm4b:s30+s2], $0x80, $0x38;
	[tilespmem:$0x4A00] =	vst v63  }
0x12e: {  	s31 =	spop (v2sf)  }
0x12f: {  	(v2sf) =	vpush v2, $0xF;
	s30 =	sand.u32 $0x1FFFFFF0, s31  }
0x130: {  	s31 =	sadd.s32 $0xA80, s29;
	s30 =	sadd.s32 s4, s30  }
0x131: {  	[tilespmem:s31], [sflag:$0x1] =	stream.linear.gather [hbm4b:s30+s2], $0x80, $0x38;
	[tilespmem:$0x4A00] =	vst v63  }
0x132: {  	s31 =	spop (v2sf)  }
0x133: {  	s30 =	sand.u32 $0x1FFFFFF0, s31  }
0x134: {  	(v2sf) =	vpush v1, $0xF;
	s31 =	sadd.s32 $0x2A80, s29;
	s30 =	sadd.s32 s5, s30  }
0x135: {  	[tilespmem:s31], [sflag:$0x2] =	stream.linear.gather [hbm4b:s30+s2], $0x80, $0x38;
	[tilespmem:$0x4A00] =	vst v63  }
0x136: {  	s31 =	spop (v2sf)  }
0x137: {  	s30 =	sand.u32 $0x1FFFFFF0, s31  }
0x138: {  	s31 =	sadd.s32 $0xB00, s29;
	s30 =	sadd.s32 s4, s30  }
0x139: {  	[tilespmem:s31], [sflag:$0x1] =	stream.linear.gather [hbm4b:s30+s2], $0x80, $0x38;
	[tilespmem:$0x4A00] =	vst v63  }
0x13a: {  	s31 =	spop (v2sf)  }
0x13b: {  	s30 =	sand.u32 $0x1FFFFFF0, s31  }
0x13c: {  	s31 =	sadd.s32 $0x2B00, s29;
	s30 =	sadd.s32 s5, s30  }
0x13d: {  	[tilespmem:s31], [sflag:$0x2] =	stream.linear.gather [hbm4b:s30+s2], $0x80, $0x38;
	[tilespmem:$0x4A00] =	vst v63  }
0x13e: {  	s31 =	spop (v2sf)  }
0x13f: {  	s30 =	sand.u32 $0x1FFFFFF0, s31  }
0x140: {  	p0 =	slt.u32 s26, $0x3;
	s31 =	sadd.s32 $0xB80, s29;
	s30 =	sadd.s32 s4, s30  }
0x141: {  	[tilespmem:s31], [sflag:$0x1] =	stream.linear.gather [hbm4b:s30+s2], $0x80, $0x38;
	[tilespmem:$0x4A00] =	vst v63  }
.Ltmp5:
0x142: {  	_ = 	snop;
	(pc) =	sbr.rel @p0 .LBB2_5-.Ltmp5, $4  }
.Ltmp6:
0x143: {  	s31 =	spop (v2sf);
	(pc) =	sbr.rel @!p0 .LBB2_4-.Ltmp6, $4  }
0x144: {  	s30 =	sand.u32 $0x1FFFFFF0, s31  }
0x145: {  	s29 =	sadd.s32 $0x2B80, s29;
	s30 =	sadd.s32 s5, s30  }
0x146: {  	[tilespmem:s29], [sflag:$0x2] =	stream.linear.gather [hbm4b:s30+s2], $0x80, $0x38;
	[tilespmem:$0x4A00] =	vst v63  }
0x147: {  	_ = 	snop  }
.LBB2_7:
0x148: {  	_ =	sfence.sel $0x180000  }
0x149: {  	[bflag:$0x0] =	sbarrier.arrive $0xFFFF  }
0x14a: {  	p0 =	sne.s32 s3, $0x0;
	_ =	strace $0x90000047  }
0x14b: {  	s0 =	sadd.s32 @!p0 $0x100000, s0;
	[bflag:$0x2] =	sbarrier.arrive $0xFFFF  }
0x14c: {  	[sflag:s0] =	ssyncadd.tile.s32 @!p0 $0x1;
	_ =	shalt  }
.Lfunc_end2:
_tile_overlayer_lowered:
.L_overlay_start_2:
0x14d: {  	(tag) =	ssettag $0x2  }
0x14e: {  	s0 =	rddreg [dreg:$0x0];
	s2 =	stileid.u32  }
0x14f: {  	s1 =	rddreg [dreg:$0x1];
	p0 =	sne.s32 s2, $0x0  }
0x150: {  	s3 =	rddreg [dreg:$0x2];
	[bflag:$0x3] =	sbarrier.arrive $0xFFFF;
	s2 =	simm.s32 @!p0 $0x1C05  }
0x151: {  	[timem:s3], [sflag:s2] =	dma.local @!p0 [hbm:s0], s1  }
0x152: {  	s0 =	simm.s32 @!p0 $0x5  }
0x153: {  	_ =	swait.ge @!p0 [sflag:s0], s1  }
0x154: {  	s1 =	ssub.s32 @!p0 $0x0, s1;
	[sflag:s0] =	ssyncset.done @!p0 $0x0  }
0x155: {  	[sflag:s0] =	ssyncadd.s32 @!p0 s1  }
0x156: {  	[bflag:$0x3] =	sbarrier.arrive $0xFFFF  }
0x157: {  	_ =	shalt  }

</sc_bundles>
